<compile_context>
chip_gen: v7x
topology: tpu7x:2x2x1
jax: 0.10.2.dev20260603
libtpu: 0.0.44.dev20260713+nightly
codegen_flags: <defaults>
</compile_context>

<pallas_src>
import functools

import jax
import jax.numpy as jnp
from jax import lax
from jax.experimental import pallas as pl
from jax.experimental.pallas import tpu as pltpu
from jax.experimental.pallas import tpu_sc as plsc

NE = 8
CAP = 1280
NTOK = 8192
D = 2048
BLK = 1024
NBLK = NTOK // BLK
NROWS = NE * CAP
NW = 32
RPT = NROWS // NW
CHUNK = 16
NCH = RPT // CHUNK
DROP = NROWS


def _router_body(x_ref, w_ref, b_ref, slot_ref, counts_ref, tril_ref):
    i = pl.program_id(0)

    @pl.when(i == 0)
    def _():
        counts_ref[...] = jnp.zeros((1, NE), jnp.float32)
        row_i = lax.broadcasted_iota(jnp.int32, (BLK, BLK), 0)
        col_i = lax.broadcasted_iota(jnp.int32, (BLK, BLK), 1)
        tril_ref[...] = (row_i >= col_i).astype(jnp.float32)

    logits = (
        jnp.dot(x_ref[...], w_ref[...], preferred_element_type=jnp.float32)
        + b_ref[...]
    )
    iota_e = lax.broadcasted_iota(jnp.int32, (BLK, NE), 1)
    mx = jnp.max(logits, axis=1, keepdims=True)
    routes = jnp.min(
        jnp.where(logits == mx, iota_e, NE), axis=1, keepdims=True
    )
    one_hot = (iota_e == routes).astype(jnp.float32)
    pos_incl = jnp.dot(tril_ref[...], one_hot,
                       preferred_element_type=jnp.float32)
    counts = counts_ref[...]
    pos_tok = jnp.sum(one_hot * (pos_incl + counts), axis=1, keepdims=True) - 1.0
    pos_i = pos_tok.astype(jnp.int32)
    keep = pos_i < CAP
    slot = jnp.where(keep, routes * CAP + pos_i, DROP)
    slot_ref[...] = slot.reshape(1, BLK, 1)
    counts_ref[...] = counts + jnp.sum(one_hot, axis=0, keepdims=True)


_router = pl.pallas_call(
    _router_body,
    grid=(NBLK,),
    in_specs=[
        pl.BlockSpec((BLK, D), lambda i: (i, 0)),
        pl.BlockSpec((D, NE), lambda i: (0, 0)),
        pl.BlockSpec((1, NE), lambda i: (0, 0)),
    ],
    out_specs=pl.BlockSpec((1, BLK, 1), lambda i: (i, 0, 0)),
    out_shape=jax.ShapeDtypeStruct((NBLK, BLK, 1), jnp.int32),
    scratch_shapes=[
        pltpu.VMEM((1, NE), jnp.float32),
        pltpu.VMEM((BLK, BLK), jnp.float32),
    ],
)


def _dispatch_body(x_hbm, slots_hbm, zeros_hbm, out_hbm,
                   slots_v, perm_v, stage_a, stage_b, zero_v, sem_g, sem_w):
    wid = lax.axis_index("s") * 2 + lax.axis_index("c")
    lo = wid * RPT
    pltpu.sync_copy(slots_hbm, slots_v)
    pltpu.sync_copy(zeros_hbm, zero_v)

    def initp(j, carry):
        perm_v[pl.ds(j * 16, 16)] = jnp.zeros((16,), jnp.int32)
        return carry

    lax.fori_loop(0, RPT // 16, initp, 0)

    lov = jnp.full((16,), lo, jnp.int32)
    lane = lax.iota(jnp.int32, 16)
    UNROLL = 16

    def build(jj, fcar):
        base = jj * (16 * UNROLL)
        acc = fcar
        for u in range(UNROLL):
            s = slots_v[pl.ds(base + u * 16, 16)]
            tok = lane + (base + u * 16)
            rel = s - lov
            m = (rel >= 0) & (rel < RPT)
            plsc.store_scatter(perm_v, [rel], tok, mask=m)
            acc = acc + plsc.all_reduce_population_count(m)
        return acc

    fvec = lax.fori_loop(0, NTOK // (16 * UNROLL), build,
                         jnp.zeros((16,), jnp.int32))
    f = jnp.max(fvec, axis=0)
    nfc = (f + CHUNK - 1) // CHUNK

    def issue_g(c, buf):
        idx_ref = perm_v.at[pl.ds(c * CHUNK, CHUNK)]
        pltpu.async_copy(x_hbm.at[idx_ref], buf, sem_g)

    def wait_g():
        pltpu.make_async_copy(x_hbm.at[perm_v.at[pl.ds(0, CHUNK)]], stage_a,
                              sem_g).wait()

    def issue_w(c, buf):
        @pl.when(c == nfc - 1)
        def _():
            def fixr(r, carry):
                pltpu.sync_copy(zeros_hbm.at[pl.ds(0, 1)],
                                buf.at[pl.ds(r, 1)])
                return carry

            lax.fori_loop(f - c * CHUNK, CHUNK, fixr, 0)

        pltpu.async_copy(buf, out_hbm.at[pl.ds(lo + c * CHUNK, CHUNK)], sem_w)

    def wait_w():
        pltpu.make_async_copy(zeros_hbm, stage_a, sem_w).wait()

    @pl.when(nfc > 0)
    def _():
        issue_g(0, stage_a)

    def body_a(p, carry):
        a = 2 * p
        b = 2 * p + 1

        @pl.when(a < nfc)
        def _():
            wait_g()

            @pl.when(a >= 1)
            def _():
                wait_w()

            @pl.when(b < nfc)
            def _():
                issue_g(b, stage_b)

            issue_w(a, stage_a)

        @pl.when(b < nfc)
        def _():
            wait_g()

            @pl.when(b + 1 < nfc)
            def _():
                issue_g(b + 1, stage_a)

            wait_w()
            issue_w(b, stage_b)

        return carry

    lax.fori_loop(0, (NCH + 1) // 2, body_a, 0)

    @pl.when(nfc > 0)
    def _():
        wait_w()

    def body_b(c, carry):
        pltpu.async_copy(zero_v, out_hbm.at[pl.ds(lo + c * CHUNK, CHUNK)],
                         sem_w)
        return carry

    lax.fori_loop(nfc, NCH, body_b, 0)

    def drain_b(c, carry):
        pltpu.make_async_copy(zeros_hbm, stage_a, sem_w).wait()
        return carry

    lax.fori_loop(nfc, NCH, drain_b, 0)


@functools.cache
def _make_dispatch():
    return functools.partial(
        pl.kernel,
        out_type=jax.ShapeDtypeStruct((NROWS, D), jnp.float32),
        mesh=plsc.VectorSubcoreMesh(core_axis_name="c", subcore_axis_name="s"),
        compiler_params=pltpu.CompilerParams(needs_layout_passes=False),
        scratch_types=[
            pltpu.VMEM((NTOK,), jnp.int32),
            pltpu.VMEM((512,), jnp.int32),
            pltpu.VMEM((CHUNK, D), jnp.float32),
            pltpu.VMEM((CHUNK, D), jnp.float32),
            pltpu.VMEM((CHUNK, D), jnp.float32),
            pltpu.SemaphoreType.DMA,
            pltpu.SemaphoreType.DMA,
        ],
    )(_dispatch_body)


def kernel(x, W, b):
    xf = x.reshape(-1, D)
    slots = _router(xf, W, b.reshape(1, NE)).reshape(NTOK)
    zrows = jnp.zeros((CHUNK, D), jnp.float32)
    return _make_dispatch()(xf, slots, zrows)

# --- scband reference (transcript-rebuilt; emitter-appended) ---
"""Pipeline reference for scband-inter-node-mo-elayer-in-2199023256087 (READ-ONLY COPY).

The authoritative reference and input builder live on the scoring server;
editing this copy changes nothing except your own understanding.
"""

import jax, jax.numpy as jnp
import numpy as np

N_EXPERTS = 8
CAPACITY_FACTOR = 1.25
SEQUENCE_LENGTH = 2048
D_MODEL = 2048
BATCH = 4


def setup_inputs(seed: int = 0) -> dict:
    key = jax.random.key(seed)
    k1, k2 = jax.random.split(key, 2)
    x = jax.random.normal(k1, (BATCH, SEQUENCE_LENGTH, D_MODEL), dtype=jnp.float32)
    W = jax.random.normal(k2, (D_MODEL, N_EXPERTS), dtype=jnp.float32) * 0.02
    b = jnp.zeros((N_EXPERTS,), dtype=jnp.float32)
    return {"x": x, "W": W, "b": b}


def reference(x, W, b):
    # x: [batch, seq, d_model] -> flatten tokens
    B, S, d = x.shape
    xf = x.reshape(-1, d)  # [N, d]
    # Switch_inter: softmax(linear(x)) -> top-1 route
    logits = xf @ W + b
    probs = jax.nn.softmax(logits, axis=-1)
    routes = jnp.argmax(probs, axis=-1)  # [N] int
    route_prob_max = jnp.max(probs, axis=-1)  # computed for faithfulness (side-effect path in torch)
    del route_prob_max
    capacity = int(CAPACITY_FACTOR * B * SEQUENCE_LENGTH / N_EXPERTS)
    # position of each token within its expert (token order == deterministic drop of overflow)
    one_hot = jax.nn.one_hot(routes, N_EXPERTS, dtype=jnp.int32)  # [N, E]
    pos = jnp.cumsum(one_hot, axis=0) - 1  # [N, E]
    pos_tok = jnp.take_along_axis(pos, routes[:, None], axis=1)[:, 0]  # [N]
    keep = pos_tok < capacity
    # dispatch slot = expert * capacity + position; dropped tokens go to an overflow slot
    slot = jnp.where(keep, routes * capacity + pos_tok, N_EXPERTS * capacity)
    out = jnp.zeros((N_EXPERTS * capacity + 1, d), dtype=xf.dtype)
    out = out.at[slot].set(xf)  # scatter-overwrite dispatch (pad slots stay zero)
    # single-process simulation: _AllToAll over a group of size 1 is identity
    return out[: N_EXPERTS * capacity]

if __name__ == "__main__":
    import jax
    _d = setup_inputs()
    print(jax.jit(kernel)(*tuple(_d.values())))

</pallas_src>

<mosaic_0001>
#map = affine_map<(d0, d1) -> (0, 0)>
#map1 = affine_map<(d0, d1) -> (0)>
module attributes {stable_mosaic.version = 14 : i64} {
  func.func @_dispatch_body(%arg0: i32, %arg1: i32, %arg2: memref<8192x2048xf32, #tpu.memory_space<hbm>>, %arg3: memref<8192xi32, #tpu.memory_space<hbm>>, %arg4: memref<16x2048xf32, #tpu.memory_space<hbm>>, %arg5: memref<10240x2048xf32, #tpu.memory_space<hbm>>, %arg6: memref<8192xi32, #tpu.memory_space<vmem>>, %arg7: memref<512xi32, #tpu.memory_space<vmem>>, %arg8: memref<16x2048xf32, #tpu.memory_space<vmem>>, %arg9: memref<16x2048xf32, #tpu.memory_space<vmem>>, %arg10: memref<16x2048xf32, #tpu.memory_space<vmem>>, %arg11: memref<!tpu.dma_semaphore, #tpu.memory_space<semaphore_mem>>, %arg12: memref<!tpu.dma_semaphore, #tpu.memory_space<semaphore_mem>>) attributes {dimension_semantics = [#tpu.dimension_semantics<core_parallel>, #tpu.dimension_semantics<subcore_parallel>], iteration_bounds = array<i64: 2, 16>, scalar_prefetch = 0 : i64, scratch_operands = 7 : i64, tpu.core_type = #tpu.core_type<sc_vector_subcore>, window_params = [{transform_indices = #map}, {transform_indices = #map1}, {transform_indices = #map}, {transform_indices = #map}]} {
    %mul3A = arith.constant 2 : i32
    %mul3A_0 = arith.muli %arg1, %mul3A : i32
    %add3A = arith.addi %mul3A_0, %arg0 : i32
    %mul3A_1 = arith.constant 320 : i32
    %mul3A_2 = arith.muli %add3A, %mul3A_1 : i32
    "tpu.region"() ({
      %run_scoped3A = tpu.sem_alloc : memref<!tpu.dma_semaphore, #tpu.memory_space<semaphore_mem>>
      tpu.enqueue_dma source(%arg3 : memref<8192xi32, #tpu.memory_space<hbm>>) target(%arg6 : memref<8192xi32, #tpu.memory_space<vmem>>) target_semaphore(%run_scoped3A : memref<!tpu.dma_semaphore, #tpu.memory_space<semaphore_mem>>)
      tpu.wait_dma2 semaphore(%run_scoped3A : memref<!tpu.dma_semaphore, #tpu.memory_space<semaphore_mem>>) src(%arg3 : memref<8192xi32, #tpu.memory_space<hbm>>) dst(%arg6 : memref<8192xi32, #tpu.memory_space<vmem>>)
      tpu.yield
    }) : () -> ()
    "tpu.region"() ({
      %run_scoped3A = tpu.sem_alloc : memref<!tpu.dma_semaphore, #tpu.memory_space<semaphore_mem>>
      tpu.enqueue_dma source(%arg4 : memref<16x2048xf32, #tpu.memory_space<hbm>>) target(%arg10 : memref<16x2048xf32, #tpu.memory_space<vmem>>) target_semaphore(%run_scoped3A : memref<!tpu.dma_semaphore, #tpu.memory_space<semaphore_mem>>)
      tpu.wait_dma2 semaphore(%run_scoped3A : memref<!tpu.dma_semaphore, #tpu.memory_space<semaphore_mem>>) src(%arg4 : memref<16x2048xf32, #tpu.memory_space<hbm>>) dst(%arg10 : memref<16x2048xf32, #tpu.memory_space<vmem>>)
      tpu.yield
    }) : () -> ()
    %scan3A = arith.constant 0 : i32
    %scan3A_3 = arith.constant 0 : i32
    %scan3A_4 = arith.constant 20 : i32
    %scan3A_5 = arith.addi %scan3A_3, %scan3A_4 : i32
    %scan3A_6 = arith.constant 1 : i32
    scf.for %scan3A_75 = %scan3A_3 to %scan3A_5 step %scan3A_6  : i32 {
      %broadcast_in_dim3A_76 = arith.constant 0 : i32
      %broadcast_in_dim3A_77 = vector.broadcast %broadcast_in_dim3A_76 : i32 to vector<16xi32>
      %mul3A_78 = arith.constant 16 : i32
      %mul3A_79 = arith.muli %scan3A_75, %mul3A_78 : i32
      %swap3A = arith.index_cast %mul3A_79 : i32 to index
      %swap3A_80 = tpu.vector_load %arg7[%swap3A] {strides = array<i32>} : memref<512xi32, #tpu.memory_space<vmem>>, vector<16xi32>,
      tpu.vector_store %arg7[%swap3A], %broadcast_in_dim3A_77 {strides = array<i32>} : memref<512xi32, #tpu.memory_space<vmem>>, vector<16xi32>,
    }
    %scan3A_7 = arith.constant 20 : i32
    %broadcast_in_dim3A = vector.broadcast %mul3A_2 : i32 to vector<16xi32>
    %iota3A = tpu.iota {dimensions = array<i32: 0>} : vector<16xi32>
    %broadcast_in_dim3A_8 = arith.constant 0 : i32
    %broadcast_in_dim3A_9 = vector.broadcast %broadcast_in_dim3A_8 : i32 to vector<16xi32>
    %scan3A_10 = arith.constant 0 : i32
    %scan3A_11 = arith.constant 32 : i32
    %scan3A_12 = arith.addi %scan3A_10, %scan3A_11 : i32
    %scan3A_13 = arith.constant 1 : i32
    %scan3A_14 = scf.for %scan3A_75 = %scan3A_10 to %scan3A_12 step %scan3A_13 iter_args(%scan3A_76 = %broadcast_in_dim3A_9) -> (vector<16xi32>)  : i32 {
      %mul3A_77 = arith.constant 256 : i32
      %mul3A_78 = arith.muli %scan3A_75, %mul3A_77 : i32
      %add3A_79 = arith.constant 0 : i32
      %add3A_80 = arith.addi %mul3A_78, %add3A_79 : i32
      %get3A = arith.index_cast %add3A_80 : i32 to index
      %get3A_81 = tpu.vector_load %arg6[%get3A] {strides = array<i32>} : memref<8192xi32, #tpu.memory_space<vmem>>, vector<16xi32>,
      %add3A_82 = arith.constant 0 : i32
      %add3A_83 = arith.addi %mul3A_78, %add3A_82 : i32
      %add3A_84 = vector.broadcast %add3A_83 : i32 to vector<16xi32>
      %add3A_85 = arith.addi %iota3A, %add3A_84 : vector<16xi32>
      %sub3A_86 = arith.subi %get3A_81, %broadcast_in_dim3A : vector<16xi32>
      %ge3A = arith.constant 0 : i32
      %ge3A_87 = vector.broadcast %ge3A : i32 to vector<16xi32>
      %ge3A_88 = arith.cmpi sge, %sub3A_86, %ge3A_87 : vector<16xi32>
      %lt3A = arith.constant 320 : i32
      %lt3A_89 = vector.broadcast %lt3A : i32 to vector<16xi32>
      %lt3A_90 = arith.cmpi slt, %sub3A_86, %lt3A_89 : vector<16xi32>
      %and3A_91 = arith.andi %ge3A_88, %lt3A_90 : vector<16xi1>
      tpu.vector_store_idx %arg7[%sub3A_86], %add3A_85 masked %and3A_91 : memref<512xi32, #tpu.memory_space<vmem>>[vector<16xi32>], vector<16xi32>, vector<16xi1>
      %all_reduce_population_count3A = tpu.all_reduce %and3A_91 {dim = 0 : i64, kind = #tpu.reduction_kind<sum>} : vector<16xi1> -> vector<16xi32>
      %add3A_92 = arith.addi %scan3A_76, %all_reduce_population_count3A : vector<16xi32>
      %add3A_93 = arith.constant 16 : i32
      %add3A_94 = arith.addi %mul3A_78, %add3A_93 : i32
      %get3A_95 = arith.index_cast %add3A_94 : i32 to index
      %get3A_96 = tpu.vector_load %arg6[%get3A_95] {strides = array<i32>} : memref<8192xi32, #tpu.memory_space<vmem>>, vector<16xi32>,
      %add3A_97 = arith.constant 16 : i32
      %add3A_98 = arith.addi %mul3A_78, %add3A_97 : i32
      %add3A_99 = vector.broadcast %add3A_98 : i32 to vector<16xi32>
      %add3A_100 = arith.addi %iota3A, %add3A_99 : vector<16xi32>
      %sub3A_101 = arith.subi %get3A_96, %broadcast_in_dim3A : vector<16xi32>
      %ge3A_102 = arith.constant 0 : i32
      %ge3A_103 = vector.broadcast %ge3A_102 : i32 to vector<16xi32>
      %ge3A_104 = arith.cmpi sge, %sub3A_101, %ge3A_103 : vector<16xi32>
      %lt3A_105 = arith.constant 320 : i32
      %lt3A_106 = vector.broadcast %lt3A_105 : i32 to vector<16xi32>
      %lt3A_107 = arith.cmpi slt, %sub3A_101, %lt3A_106 : vector<16xi32>
      %and3A_108 = arith.andi %ge3A_104, %lt3A_107 : vector<16xi1>
      tpu.vector_store_idx %arg7[%sub3A_101], %add3A_100 masked %and3A_108 : memref<512xi32, #tpu.memory_space<vmem>>[vector<16xi32>], vector<16xi32>, vector<16xi1>
      %all_reduce_population_count3A_109 = tpu.all_reduce %and3A_108 {dim = 0 : i64, kind = #tpu.reduction_kind<sum>} : vector<16xi1> -> vector<16xi32>
      %add3A_110 = arith.addi %add3A_92, %all_reduce_population_count3A_109 : vector<16xi32>
      %add3A_111 = arith.constant 32 : i32
      %add3A_112 = arith.addi %mul3A_78, %add3A_111 : i32
      %get3A_113 = arith.index_cast %add3A_112 : i32 to index
      %get3A_114 = tpu.vector_load %arg6[%get3A_113] {strides = array<i32>} : memref<8192xi32, #tpu.memory_space<vmem>>, vector<16xi32>,
      %add3A_115 = arith.constant 32 : i32
      %add3A_116 = arith.addi %mul3A_78, %add3A_115 : i32
      %add3A_117 = vector.broadcast %add3A_116 : i32 to vector<16xi32>
      %add3A_118 = arith.addi %iota3A, %add3A_117 : vector<16xi32>
      %sub3A_119 = arith.subi %get3A_114, %broadcast_in_dim3A : vector<16xi32>
      %ge3A_120 = arith.constant 0 : i32
      %ge3A_121 = vector.broadcast %ge3A_120 : i32 to vector<16xi32>
      %ge3A_122 = arith.cmpi sge, %sub3A_119, %ge3A_121 : vector<16xi32>
      %lt3A_123 = arith.constant 320 : i32
      %lt3A_124 = vector.broadcast %lt3A_123 : i32 to vector<16xi32>
      %lt3A_125 = arith.cmpi slt, %sub3A_119, %lt3A_124 : vector<16xi32>
      %and3A_126 = arith.andi %ge3A_122, %lt3A_125 : vector<16xi1>
      tpu.vector_store_idx %arg7[%sub3A_119], %add3A_118 masked %and3A_126 : memref<512xi32, #tpu.memory_space<vmem>>[vector<16xi32>], vector<16xi32>, vector<16xi1>
      %all_reduce_population_count3A_127 = tpu.all_reduce %and3A_126 {dim = 0 : i64, kind = #tpu.reduction_kind<sum>} : vector<16xi1> -> vector<16xi32>
      %add3A_128 = arith.addi %add3A_110, %all_reduce_population_count3A_127 : vector<16xi32>
      %add3A_129 = arith.constant 48 : i32
      %add3A_130 = arith.addi %mul3A_78, %add3A_129 : i32
      %get3A_131 = arith.index_cast %add3A_130 : i32 to index
      %get3A_132 = tpu.vector_load %arg6[%get3A_131] {strides = array<i32>} : memref<8192xi32, #tpu.memory_space<vmem>>, vector<16xi32>,
      %add3A_133 = arith.constant 48 : i32
      %add3A_134 = arith.addi %mul3A_78, %add3A_133 : i32
      %add3A_135 = vector.broadcast %add3A_134 : i32 to vector<16xi32>
      %add3A_136 = arith.addi %iota3A, %add3A_135 : vector<16xi32>
      %sub3A_137 = arith.subi %get3A_132, %broadcast_in_dim3A : vector<16xi32>
      %ge3A_138 = arith.constant 0 : i32
      %ge3A_139 = vector.broadcast %ge3A_138 : i32 to vector<16xi32>
      %ge3A_140 = arith.cmpi sge, %sub3A_137, %ge3A_139 : vector<16xi32>
      %lt3A_141 = arith.constant 320 : i32
      %lt3A_142 = vector.broadcast %lt3A_141 : i32 to vector<16xi32>
      %lt3A_143 = arith.cmpi slt, %sub3A_137, %lt3A_142 : vector<16xi32>
      %and3A_144 = arith.andi %ge3A_140, %lt3A_143 : vector<16xi1>
      tpu.vector_store_idx %arg7[%sub3A_137], %add3A_136 masked %and3A_144 : memref<512xi32, #tpu.memory_space<vmem>>[vector<16xi32>], vector<16xi32>, vector<16xi1>
      %all_reduce_population_count3A_145 = tpu.all_reduce %and3A_144 {dim = 0 : i64, kind = #tpu.reduction_kind<sum>} : vector<16xi1> -> vector<16xi32>
      %add3A_146 = arith.addi %add3A_128, %all_reduce_population_count3A_145 : vector<16xi32>
      %add3A_147 = arith.constant 64 : i32
      %add3A_148 = arith.addi %mul3A_78, %add3A_147 : i32
      %get3A_149 = arith.index_cast %add3A_148 : i32 to index
      %get3A_150 = tpu.vector_load %arg6[%get3A_149] {strides = array<i32>} : memref<8192xi32, #tpu.memory_space<vmem>>, vector<16xi32>,
      %add3A_151 = arith.constant 64 : i32
      %add3A_152 = arith.addi %mul3A_78, %add3A_151 : i32
      %add3A_153 = vector.broadcast %add3A_152 : i32 to vector<16xi32>
      %add3A_154 = arith.addi %iota3A, %add3A_153 : vector<16xi32>
      %sub3A_155 = arith.subi %get3A_150, %broadcast_in_dim3A : vector<16xi32>
      %ge3A_156 = arith.constant 0 : i32
      %ge3A_157 = vector.broadcast %ge3A_156 : i32 to vector<16xi32>
      %ge3A_158 = arith.cmpi sge, %sub3A_155, %ge3A_157 : vector<16xi32>
      %lt3A_159 = arith.constant 320 : i32
      %lt3A_160 = vector.broadcast %lt3A_159 : i32 to vector<16xi32>
      %lt3A_161 = arith.cmpi slt, %sub3A_155, %lt3A_160 : vector<16xi32>
      %and3A_162 = arith.andi %ge3A_158, %lt3A_161 : vector<16xi1>
      tpu.vector_store_idx %arg7[%sub3A_155], %add3A_154 masked %and3A_162 : memref<512xi32, #tpu.memory_space<vmem>>[vector<16xi32>], vector<16xi32>, vector<16xi1>
      %all_reduce_population_count3A_163 = tpu.all_reduce %and3A_162 {dim = 0 : i64, kind = #tpu.reduction_kind<sum>} : vector<16xi1> -> vector<16xi32>
      %add3A_164 = arith.addi %add3A_146, %all_reduce_population_count3A_163 : vector<16xi32>
      %add3A_165 = arith.constant 80 : i32
      %add3A_166 = arith.addi %mul3A_78, %add3A_165 : i32
      %get3A_167 = arith.index_cast %add3A_166 : i32 to index
      %get3A_168 = tpu.vector_load %arg6[%get3A_167] {strides = array<i32>} : memref<8192xi32, #tpu.memory_space<vmem>>, vector<16xi32>,
      %add3A_169 = arith.constant 80 : i32
      %add3A_170 = arith.addi %mul3A_78, %add3A_169 : i32
      %add3A_171 = vector.broadcast %add3A_170 : i32 to vector<16xi32>
      %add3A_172 = arith.addi %iota3A, %add3A_171 : vector<16xi32>
      %sub3A_173 = arith.subi %get3A_168, %broadcast_in_dim3A : vector<16xi32>
      %ge3A_174 = arith.constant 0 : i32
      %ge3A_175 = vector.broadcast %ge3A_174 : i32 to vector<16xi32>
      %ge3A_176 = arith.cmpi sge, %sub3A_173, %ge3A_175 : vector<16xi32>
      %lt3A_177 = arith.constant 320 : i32
      %lt3A_178 = vector.broadcast %lt3A_177 : i32 to vector<16xi32>
      %lt3A_179 = arith.cmpi slt, %sub3A_173, %lt3A_178 : vector<16xi32>
      %and3A_180 = arith.andi %ge3A_176, %lt3A_179 : vector<16xi1>
      tpu.vector_store_idx %arg7[%sub3A_173], %add3A_172 masked %and3A_180 : memref<512xi32, #tpu.memory_space<vmem>>[vector<16xi32>], vector<16xi32>, vector<16xi1>
      %all_reduce_population_count3A_181 = tpu.all_reduce %and3A_180 {dim = 0 : i64, kind = #tpu.reduction_kind<sum>} : vector<16xi1> -> vector<16xi32>
      %add3A_182 = arith.addi %add3A_164, %all_reduce_population_count3A_181 : vector<16xi32>
      %add3A_183 = arith.constant 96 : i32
      %add3A_184 = arith.addi %mul3A_78, %add3A_183 : i32
      %get3A_185 = arith.index_cast %add3A_184 : i32 to index
      %get3A_186 = tpu.vector_load %arg6[%get3A_185] {strides = array<i32>} : memref<8192xi32, #tpu.memory_space<vmem>>, vector<16xi32>,
      %add3A_187 = arith.constant 96 : i32
      %add3A_188 = arith.addi %mul3A_78, %add3A_187 : i32
      %add3A_189 = vector.broadcast %add3A_188 : i32 to vector<16xi32>
      %add3A_190 = arith.addi %iota3A, %add3A_189 : vector<16xi32>
      %sub3A_191 = arith.subi %get3A_186, %broadcast_in_dim3A : vector<16xi32>
      %ge3A_192 = arith.constant 0 : i32
      %ge3A_193 = vector.broadcast %ge3A_192 : i32 to vector<16xi32>
      %ge3A_194 = arith.cmpi sge, %sub3A_191, %ge3A_193 : vector<16xi32>
      %lt3A_195 = arith.constant 320 : i32
      %lt3A_196 = vector.broadcast %lt3A_195 : i32 to vector<16xi32>
      %lt3A_197 = arith.cmpi slt, %sub3A_191, %lt3A_196 : vector<16xi32>
      %and3A_198 = arith.andi %ge3A_194, %lt3A_197 : vector<16xi1>
      tpu.vector_store_idx %arg7[%sub3A_191], %add3A_190 masked %and3A_198 : memref<512xi32, #tpu.memory_space<vmem>>[vector<16xi32>], vector<16xi32>, vector<16xi1>
      %all_reduce_population_count3A_199 = tpu.all_reduce %and3A_198 {dim = 0 : i64, kind = #tpu.reduction_kind<sum>} : vector<16xi1> -> vector<16xi32>
      %add3A_200 = arith.addi %add3A_182, %all_reduce_population_count3A_199 : vector<16xi32>
      %add3A_201 = arith.constant 112 : i32
      %add3A_202 = arith.addi %mul3A_78, %add3A_201 : i32
      %get3A_203 = arith.index_cast %add3A_202 : i32 to index
      %get3A_204 = tpu.vector_load %arg6[%get3A_203] {strides = array<i32>} : memref<8192xi32, #tpu.memory_space<vmem>>, vector<16xi32>,
      %add3A_205 = arith.constant 112 : i32
      %add3A_206 = arith.addi %mul3A_78, %add3A_205 : i32
      %add3A_207 = vector.broadcast %add3A_206 : i32 to vector<16xi32>
      %add3A_208 = arith.addi %iota3A, %add3A_207 : vector<16xi32>
      %sub3A_209 = arith.subi %get3A_204, %broadcast_in_dim3A : vector<16xi32>
      %ge3A_210 = arith.constant 0 : i32
      %ge3A_211 = vector.broadcast %ge3A_210 : i32 to vector<16xi32>
      %ge3A_212 = arith.cmpi sge, %sub3A_209, %ge3A_211 : vector<16xi32>
      %lt3A_213 = arith.constant 320 : i32
      %lt3A_214 = vector.broadcast %lt3A_213 : i32 to vector<16xi32>
      %lt3A_215 = arith.cmpi slt, %sub3A_209, %lt3A_214 : vector<16xi32>
      %and3A_216 = arith.andi %ge3A_212, %lt3A_215 : vector<16xi1>
      tpu.vector_store_idx %arg7[%sub3A_209], %add3A_208 masked %and3A_216 : memref<512xi32, #tpu.memory_space<vmem>>[vector<16xi32>], vector<16xi32>, vector<16xi1>
      %all_reduce_population_count3A_217 = tpu.all_reduce %and3A_216 {dim = 0 : i64, kind = #tpu.reduction_kind<sum>} : vector<16xi1> -> vector<16xi32>
      %add3A_218 = arith.addi %add3A_200, %all_reduce_population_count3A_217 : vector<16xi32>
      %add3A_219 = arith.constant 128 : i32
      %add3A_220 = arith.addi %mul3A_78, %add3A_219 : i32
      %get3A_221 = arith.index_cast %add3A_220 : i32 to index
      %get3A_222 = tpu.vector_load %arg6[%get3A_221] {strides = array<i32>} : memref<8192xi32, #tpu.memory_space<vmem>>, vector<16xi32>,
      %add3A_223 = arith.constant 128 : i32
      %add3A_224 = arith.addi %mul3A_78, %add3A_223 : i32
      %add3A_225 = vector.broadcast %add3A_224 : i32 to vector<16xi32>
      %add3A_226 = arith.addi %iota3A, %add3A_225 : vector<16xi32>
      %sub3A_227 = arith.subi %get3A_222, %broadcast_in_dim3A : vector<16xi32>
      %ge3A_228 = arith.constant 0 : i32
      %ge3A_229 = vector.broadcast %ge3A_228 : i32 to vector<16xi32>
      %ge3A_230 = arith.cmpi sge, %sub3A_227, %ge3A_229 : vector<16xi32>
      %lt3A_231 = arith.constant 320 : i32
      %lt3A_232 = vector.broadcast %lt3A_231 : i32 to vector<16xi32>
      %lt3A_233 = arith.cmpi slt, %sub3A_227, %lt3A_232 : vector<16xi32>
      %and3A_234 = arith.andi %ge3A_230, %lt3A_233 : vector<16xi1>
      tpu.vector_store_idx %arg7[%sub3A_227], %add3A_226 masked %and3A_234 : memref<512xi32, #tpu.memory_space<vmem>>[vector<16xi32>], vector<16xi32>, vector<16xi1>
      %all_reduce_population_count3A_235 = tpu.all_reduce %and3A_234 {dim = 0 : i64, kind = #tpu.reduction_kind<sum>} : vector<16xi1> -> vector<16xi32>
      %add3A_236 = arith.addi %add3A_218, %all_reduce_population_count3A_235 : vector<16xi32>
      %add3A_237 = arith.constant 144 : i32
      %add3A_238 = arith.addi %mul3A_78, %add3A_237 : i32
      %get3A_239 = arith.index_cast %add3A_238 : i32 to index
      %get3A_240 = tpu.vector_load %arg6[%get3A_239] {strides = array<i32>} : memref<8192xi32, #tpu.memory_space<vmem>>, vector<16xi32>,
      %add3A_241 = arith.constant 144 : i32
      %add3A_242 = arith.addi %mul3A_78, %add3A_241 : i32
      %add3A_243 = vector.broadcast %add3A_242 : i32 to vector<16xi32>
      %add3A_244 = arith.addi %iota3A, %add3A_243 : vector<16xi32>
      %sub3A_245 = arith.subi %get3A_240, %broadcast_in_dim3A : vector<16xi32>
      %ge3A_246 = arith.constant 0 : i32
      %ge3A_247 = vector.broadcast %ge3A_246 : i32 to vector<16xi32>
      %ge3A_248 = arith.cmpi sge, %sub3A_245, %ge3A_247 : vector<16xi32>
      %lt3A_249 = arith.constant 320 : i32
      %lt3A_250 = vector.broadcast %lt3A_249 : i32 to vector<16xi32>
      %lt3A_251 = arith.cmpi slt, %sub3A_245, %lt3A_250 : vector<16xi32>
      %and3A_252 = arith.andi %ge3A_248, %lt3A_251 : vector<16xi1>
      tpu.vector_store_idx %arg7[%sub3A_245], %add3A_244 masked %and3A_252 : memref<512xi32, #tpu.memory_space<vmem>>[vector<16xi32>], vector<16xi32>, vector<16xi1>
      %all_reduce_population_count3A_253 = tpu.all_reduce %and3A_252 {dim = 0 : i64, kind = #tpu.reduction_kind<sum>} : vector<16xi1> -> vector<16xi32>
      %add3A_254 = arith.addi %add3A_236, %all_reduce_population_count3A_253 : vector<16xi32>
      %add3A_255 = arith.constant 160 : i32
      %add3A_256 = arith.addi %mul3A_78, %add3A_255 : i32
      %get3A_257 = arith.index_cast %add3A_256 : i32 to index
      %get3A_258 = tpu.vector_load %arg6[%get3A_257] {strides = array<i32>} : memref<8192xi32, #tpu.memory_space<vmem>>, vector<16xi32>,
      %add3A_259 = arith.constant 160 : i32
      %add3A_260 = arith.addi %mul3A_78, %add3A_259 : i32
      %add3A_261 = vector.broadcast %add3A_260 : i32 to vector<16xi32>
      %add3A_262 = arith.addi %iota3A, %add3A_261 : vector<16xi32>
      %sub3A_263 = arith.subi %get3A_258, %broadcast_in_dim3A : vector<16xi32>
      %ge3A_264 = arith.constant 0 : i32
      %ge3A_265 = vector.broadcast %ge3A_264 : i32 to vector<16xi32>
      %ge3A_266 = arith.cmpi sge, %sub3A_263, %ge3A_265 : vector<16xi32>
      %lt3A_267 = arith.constant 320 : i32
      %lt3A_268 = vector.broadcast %lt3A_267 : i32 to vector<16xi32>
      %lt3A_269 = arith.cmpi slt, %sub3A_263, %lt3A_268 : vector<16xi32>
      %and3A_270 = arith.andi %ge3A_266, %lt3A_269 : vector<16xi1>
      tpu.vector_store_idx %arg7[%sub3A_263], %add3A_262 masked %and3A_270 : memref<512xi32, #tpu.memory_space<vmem>>[vector<16xi32>], vector<16xi32>, vector<16xi1>
      %all_reduce_population_count3A_271 = tpu.all_reduce %and3A_270 {dim = 0 : i64, kind = #tpu.reduction_kind<sum>} : vector<16xi1> -> vector<16xi32>
      %add3A_272 = arith.addi %add3A_254, %all_reduce_population_count3A_271 : vector<16xi32>
      %add3A_273 = arith.constant 176 : i32
      %add3A_274 = arith.addi %mul3A_78, %add3A_273 : i32
      %get3A_275 = arith.index_cast %add3A_274 : i32 to index
      %get3A_276 = tpu.vector_load %arg6[%get3A_275] {strides = array<i32>} : memref<8192xi32, #tpu.memory_space<vmem>>, vector<16xi32>,
      %add3A_277 = arith.constant 176 : i32
      %add3A_278 = arith.addi %mul3A_78, %add3A_277 : i32
      %add3A_279 = vector.broadcast %add3A_278 : i32 to vector<16xi32>
      %add3A_280 = arith.addi %iota3A, %add3A_279 : vector<16xi32>
      %sub3A_281 = arith.subi %get3A_276, %broadcast_in_dim3A : vector<16xi32>
      %ge3A_282 = arith.constant 0 : i32
      %ge3A_283 = vector.broadcast %ge3A_282 : i32 to vector<16xi32>
      %ge3A_284 = arith.cmpi sge, %sub3A_281, %ge3A_283 : vector<16xi32>
      %lt3A_285 = arith.constant 320 : i32
      %lt3A_286 = vector.broadcast %lt3A_285 : i32 to vector<16xi32>
      %lt3A_287 = arith.cmpi slt, %sub3A_281, %lt3A_286 : vector<16xi32>
      %and3A_288 = arith.andi %ge3A_284, %lt3A_287 : vector<16xi1>
      tpu.vector_store_idx %arg7[%sub3A_281], %add3A_280 masked %and3A_288 : memref<512xi32, #tpu.memory_space<vmem>>[vector<16xi32>], vector<16xi32>, vector<16xi1>
      %all_reduce_population_count3A_289 = tpu.all_reduce %and3A_288 {dim = 0 : i64, kind = #tpu.reduction_kind<sum>} : vector<16xi1> -> vector<16xi32>
      %add3A_290 = arith.addi %add3A_272, %all_reduce_population_count3A_289 : vector<16xi32>
      %add3A_291 = arith.constant 192 : i32
      %add3A_292 = arith.addi %mul3A_78, %add3A_291 : i32
      %get3A_293 = arith.index_cast %add3A_292 : i32 to index
      %get3A_294 = tpu.vector_load %arg6[%get3A_293] {strides = array<i32>} : memref<8192xi32, #tpu.memory_space<vmem>>, vector<16xi32>,
      %add3A_295 = arith.constant 192 : i32
      %add3A_296 = arith.addi %mul3A_78, %add3A_295 : i32
      %add3A_297 = vector.broadcast %add3A_296 : i32 to vector<16xi32>
      %add3A_298 = arith.addi %iota3A, %add3A_297 : vector<16xi32>
      %sub3A_299 = arith.subi %get3A_294, %broadcast_in_dim3A : vector<16xi32>
      %ge3A_300 = arith.constant 0 : i32
      %ge3A_301 = vector.broadcast %ge3A_300 : i32 to vector<16xi32>
      %ge3A_302 = arith.cmpi sge, %sub3A_299, %ge3A_301 : vector<16xi32>
      %lt3A_303 = arith.constant 320 : i32
      %lt3A_304 = vector.broadcast %lt3A_303 : i32 to vector<16xi32>
      %lt3A_305 = arith.cmpi slt, %sub3A_299, %lt3A_304 : vector<16xi32>
      %and3A_306 = arith.andi %ge3A_302, %lt3A_305 : vector<16xi1>
      tpu.vector_store_idx %arg7[%sub3A_299], %add3A_298 masked %and3A_306 : memref<512xi32, #tpu.memory_space<vmem>>[vector<16xi32>], vector<16xi32>, vector<16xi1>
      %all_reduce_population_count3A_307 = tpu.all_reduce %and3A_306 {dim = 0 : i64, kind = #tpu.reduction_kind<sum>} : vector<16xi1> -> vector<16xi32>
      %add3A_308 = arith.addi %add3A_290, %all_reduce_population_count3A_307 : vector<16xi32>
      %add3A_309 = arith.constant 208 : i32
      %add3A_310 = arith.addi %mul3A_78, %add3A_309 : i32
      %get3A_311 = arith.index_cast %add3A_310 : i32 to index
      %get3A_312 = tpu.vector_load %arg6[%get3A_311] {strides = array<i32>} : memref<8192xi32, #tpu.memory_space<vmem>>, vector<16xi32>,
      %add3A_313 = arith.constant 208 : i32
      %add3A_314 = arith.addi %mul3A_78, %add3A_313 : i32
      %add3A_315 = vector.broadcast %add3A_314 : i32 to vector<16xi32>
      %add3A_316 = arith.addi %iota3A, %add3A_315 : vector<16xi32>
      %sub3A_317 = arith.subi %get3A_312, %broadcast_in_dim3A : vector<16xi32>
      %ge3A_318 = arith.constant 0 : i32
      %ge3A_319 = vector.broadcast %ge3A_318 : i32 to vector<16xi32>
      %ge3A_320 = arith.cmpi sge, %sub3A_317, %ge3A_319 : vector<16xi32>
      %lt3A_321 = arith.constant 320 : i32
      %lt3A_322 = vector.broadcast %lt3A_321 : i32 to vector<16xi32>
      %lt3A_323 = arith.cmpi slt, %sub3A_317, %lt3A_322 : vector<16xi32>
      %and3A_324 = arith.andi %ge3A_320, %lt3A_323 : vector<16xi1>
      tpu.vector_store_idx %arg7[%sub3A_317], %add3A_316 masked %and3A_324 : memref<512xi32, #tpu.memory_space<vmem>>[vector<16xi32>], vector<16xi32>, vector<16xi1>
      %all_reduce_population_count3A_325 = tpu.all_reduce %and3A_324 {dim = 0 : i64, kind = #tpu.reduction_kind<sum>} : vector<16xi1> -> vector<16xi32>
      %add3A_326 = arith.addi %add3A_308, %all_reduce_population_count3A_325 : vector<16xi32>
      %add3A_327 = arith.constant 224 : i32
      %add3A_328 = arith.addi %mul3A_78, %add3A_327 : i32
      %get3A_329 = arith.index_cast %add3A_328 : i32 to index
      %get3A_330 = tpu.vector_load %arg6[%get3A_329] {strides = array<i32>} : memref<8192xi32, #tpu.memory_space<vmem>>, vector<16xi32>,
      %add3A_331 = arith.constant 224 : i32
      %add3A_332 = arith.addi %mul3A_78, %add3A_331 : i32
      %add3A_333 = vector.broadcast %add3A_332 : i32 to vector<16xi32>
      %add3A_334 = arith.addi %iota3A, %add3A_333 : vector<16xi32>
      %sub3A_335 = arith.subi %get3A_330, %broadcast_in_dim3A : vector<16xi32>
      %ge3A_336 = arith.constant 0 : i32
      %ge3A_337 = vector.broadcast %ge3A_336 : i32 to vector<16xi32>
      %ge3A_338 = arith.cmpi sge, %sub3A_335, %ge3A_337 : vector<16xi32>
      %lt3A_339 = arith.constant 320 : i32
      %lt3A_340 = vector.broadcast %lt3A_339 : i32 to vector<16xi32>
      %lt3A_341 = arith.cmpi slt, %sub3A_335, %lt3A_340 : vector<16xi32>
      %and3A_342 = arith.andi %ge3A_338, %lt3A_341 : vector<16xi1>
      tpu.vector_store_idx %arg7[%sub3A_335], %add3A_334 masked %and3A_342 : memref<512xi32, #tpu.memory_space<vmem>>[vector<16xi32>], vector<16xi32>, vector<16xi1>
      %all_reduce_population_count3A_343 = tpu.all_reduce %and3A_342 {dim = 0 : i64, kind = #tpu.reduction_kind<sum>} : vector<16xi1> -> vector<16xi32>
      %add3A_344 = arith.addi %add3A_326, %all_reduce_population_count3A_343 : vector<16xi32>
      %add3A_345 = arith.constant 240 : i32
      %add3A_346 = arith.addi %mul3A_78, %add3A_345 : i32
      %get3A_347 = arith.index_cast %add3A_346 : i32 to index
      %get3A_348 = tpu.vector_load %arg6[%get3A_347] {strides = array<i32>} : memref<8192xi32, #tpu.memory_space<vmem>>, vector<16xi32>,
      %add3A_349 = arith.constant 240 : i32
      %add3A_350 = arith.addi %mul3A_78, %add3A_349 : i32
      %add3A_351 = vector.broadcast %add3A_350 : i32 to vector<16xi32>
      %add3A_352 = arith.addi %iota3A, %add3A_351 : vector<16xi32>
      %sub3A_353 = arith.subi %get3A_348, %broadcast_in_dim3A : vector<16xi32>
      %ge3A_354 = arith.constant 0 : i32
      %ge3A_355 = vector.broadcast %ge3A_354 : i32 to vector<16xi32>
      %ge3A_356 = arith.cmpi sge, %sub3A_353, %ge3A_355 : vector<16xi32>
      %lt3A_357 = arith.constant 320 : i32
      %lt3A_358 = vector.broadcast %lt3A_357 : i32 to vector<16xi32>
      %lt3A_359 = arith.cmpi slt, %sub3A_353, %lt3A_358 : vector<16xi32>
      %and3A_360 = arith.andi %ge3A_356, %lt3A_359 : vector<16xi1>
      tpu.vector_store_idx %arg7[%sub3A_353], %add3A_352 masked %and3A_360 : memref<512xi32, #tpu.memory_space<vmem>>[vector<16xi32>], vector<16xi32>, vector<16xi1>
      %all_reduce_population_count3A_361 = tpu.all_reduce %and3A_360 {dim = 0 : i64, kind = #tpu.reduction_kind<sum>} : vector<16xi1> -> vector<16xi32>
      %add3A_362 = arith.addi %add3A_344, %all_reduce_population_count3A_361 : vector<16xi32>
      scf.yield %add3A_362 : vector<16xi32>
    }
    %scan3A_15 = arith.constant 32 : i32
    %reduce_max3A = arith.constant true
    %reduce_max3A_16 = vector.broadcast %reduce_max3A : i1 to vector<16xi1>
    %reduce_max3A_17 = arith.constant -2147483648 : i32
    %reduce_max3A_18 = vector.broadcast %reduce_max3A_17 : i32 to vector<16xi32>
    %reduce_max3A_19 = arith.xori %scan3A_14, %reduce_max3A_18 : vector<16xi32>
    %reduce_max3A_20 = tpu.scan <max>, %reduce_max3A_19 masked %reduce_max3A_16 : vector<16xi32>, vector<16xi1> -> vector<16xi32>
    %reduce_max3A_21 = arith.xori %reduce_max3A_20, %reduce_max3A_18 : vector<16xi32>
    %reduce_max3A_22 = vector.extract %reduce_max3A_21[15] : i32 from vector<16xi32>
    %add3A_23 = arith.constant 16 : i32
    %add3A_24 = arith.addi %reduce_max3A_22, %add3A_23 : i32
    %sub3A = arith.constant 1 : i32
    %sub3A_25 = arith.subi %add3A_24, %sub3A : i32
    %jit3A = arith.constant 16 : i32
    %div3A = arith.divsi %sub3A_25, %jit3A : i32
    %sign3A = arith.constant 0 : i32
    %sign3A_26 = arith.cmpi sgt, %sub3A_25, %sign3A : i32
    %sign3A_27 = arith.extui %sign3A_26 : i1 to i32
    %sign3A_28 = arith.constant 0 : i32
    %sign3A_29 = arith.cmpi slt, %sub3A_25, %sign3A_28 : i32
    %sign3A_30 = arith.extui %sign3A_29 : i1 to i32
    %sign3A_31 = arith.subi %sign3A_27, %sign3A_30 : i32
    %sign3A_32 = arith.constant 0 : i32
    %sign3A_33 = arith.cmpi sgt, %jit3A, %sign3A_32 : i32
    %sign3A_34 = arith.extui %sign3A_33 : i1 to i32
    %sign3A_35 = arith.constant 0 : i32
    %sign3A_36 = arith.cmpi slt, %jit3A, %sign3A_35 : i32
    %sign3A_37 = arith.extui %sign3A_36 : i1 to i32
    %sign3A_38 = arith.subi %sign3A_34, %sign3A_37 : i32
    %ne3A = arith.cmpi ne, %sign3A_31, %sign3A_38 : i32
    %rem3A = arith.remsi %sub3A_25, %jit3A : i32
    %ne3A_39 = arith.constant 0 : i32
    %ne3A_40 = arith.cmpi ne, %rem3A, %ne3A_39 : i32
    %and3A = arith.andi %ne3A, %ne3A_40 : i1
    %sub3A_41 = arith.constant 1 : i32
    %sub3A_42 = arith.subi %div3A, %sub3A_41 : i32
    %select_n3A = arith.select %and3A, %sub3A_42, %div3A : i32
    %gt3A = arith.constant 0 : i32
    %gt3A_43 = arith.cmpi sgt, %select_n3A, %gt3A : i32
    %convert_element_type3A = arith.extui %gt3A_43 : i1 to i32
    %cond3A = arith.constant 0 : i32
    %cond3A_44 = arith.cmpi ne, %convert_element_type3A, %cond3A : i32
    scf.if %cond3A_44 {
      %dma_start3A = arith.constant 0 : i32
      %dma_start3A_75 = tpu.memref_slice %arg7[%dma_start3A] : memref<512xi32, #tpu.memory_space<vmem>> -> memref<16xi32, #tpu.memory_space<vmem>>
      %dma_start3A_76 = arith.constant 0 : i32
      %dma_start3A_77 = arith.constant 0 : i32
      %dma_start3A_78 = tpu.memref_slice %arg2[%dma_start3A_76, %dma_start3A_77] : memref<8192x2048xf32, #tpu.memory_space<hbm>> -> memref<8192x2048xf32, #tpu.memory_space<hbm>>
      tpu.enqueue_indirect_dma source(%dma_start3A_78 : memref<8192x2048xf32, #tpu.memory_space<hbm>>) target(%arg8 : memref<16x2048xf32, #tpu.memory_space<vmem>>) offsets(%dma_start3A_75 : memref<16xi32, #tpu.memory_space<vmem>>) semaphore(%arg11 : memref<!tpu.dma_semaphore, #tpu.memory_space<semaphore_mem>>)
    } else {
    }
    %scan3A_45 = arith.constant 0 : i32
    %scan3A_46 = arith.constant 0 : i32
    %scan3A_47 = arith.constant 10 : i32
    %scan3A_48 = arith.addi %scan3A_46, %scan3A_47 : i32
    %scan3A_49 = arith.constant 1 : i32
    scf.for %scan3A_75 = %scan3A_46 to %scan3A_48 step %scan3A_49  : i32 {
      %mul3A_76 = arith.constant 2 : i32
      %mul3A_77 = arith.muli %mul3A_76, %scan3A_75 : i32
      %mul3A_78 = arith.constant 2 : i32
      %mul3A_79 = arith.muli %mul3A_78, %scan3A_75 : i32
      %add3A_80 = arith.constant 1 : i32
      %add3A_81 = arith.addi %mul3A_79, %add3A_80 : i32
      %lt3A = arith.cmpi slt, %mul3A_77, %select_n3A : i32
      %convert_element_type3A_82 = arith.extui %lt3A : i1 to i32
      %cond3A_83 = arith.constant 0 : i32
      %cond3A_84 = arith.cmpi ne, %convert_element_type3A_82, %cond3A_83 : i32
      scf.if %cond3A_84 {
        %dma_wait3A = arith.constant 0 : i32
        %dma_wait3A_89 = tpu.memref_slice %arg7[%dma_wait3A] : memref<512xi32, #tpu.memory_space<vmem>> -> memref<16xi32, #tpu.memory_space<vmem>>
        %dma_wait3A_90 = arith.constant 0 : i32
        %dma_wait3A_91 = arith.constant 0 : i32
        %dma_wait3A_92 = tpu.memref_slice %arg2[%dma_wait3A_90, %dma_wait3A_91] : memref<8192x2048xf32, #tpu.memory_space<hbm>> -> memref<8192x2048xf32, #tpu.memory_space<hbm>>
        tpu.wait_indirect_dma semaphore(%arg11 : memref<!tpu.dma_semaphore, #tpu.memory_space<semaphore_mem>>) src(%dma_wait3A_92 : memref<8192x2048xf32, #tpu.memory_space<hbm>>) dst(%arg8 : memref<16x2048xf32, #tpu.memory_space<vmem>>)
        %ge3A = arith.constant 1 : i32
        %ge3A_93 = arith.cmpi sge, %mul3A_77, %ge3A : i32
        %convert_element_type3A_94 = arith.extui %ge3A_93 : i1 to i32
        %cond3A_95 = arith.constant 0 : i32
        %cond3A_96 = arith.cmpi ne, %convert_element_type3A_94, %cond3A_95 : i32
        scf.if %cond3A_96 {
          tpu.wait_dma2 semaphore(%arg12 : memref<!tpu.dma_semaphore, #tpu.memory_space<semaphore_mem>>) src(%arg4 : memref<16x2048xf32, #tpu.memory_space<hbm>>) dst(%arg8 : memref<16x2048xf32, #tpu.memory_space<vmem>>)
        } else {
        }
        %lt3A_97 = arith.cmpi slt, %add3A_81, %select_n3A : i32
        %convert_element_type3A_98 = arith.extui %lt3A_97 : i1 to i32
        %cond3A_99 = arith.constant 0 : i32
        %cond3A_100 = arith.cmpi ne, %convert_element_type3A_98, %cond3A_99 : i32
        scf.if %cond3A_100 {
          %mul3A_112 = arith.constant 16 : i32
          %mul3A_113 = arith.muli %add3A_81, %mul3A_112 : i32
          %dma_start3A_114 = tpu.memref_slice %arg7[%mul3A_113] : memref<512xi32, #tpu.memory_space<vmem>> -> memref<16xi32, #tpu.memory_space<vmem>>
          %dma_start3A_115 = arith.constant 0 : i32
          %dma_start3A_116 = arith.constant 0 : i32
          %dma_start3A_117 = tpu.memref_slice %arg2[%dma_start3A_115, %dma_start3A_116] : memref<8192x2048xf32, #tpu.memory_space<hbm>> -> memref<8192x2048xf32, #tpu.memory_space<hbm>>
          tpu.enqueue_indirect_dma source(%dma_start3A_117 : memref<8192x2048xf32, #tpu.memory_space<hbm>>) target(%arg9 : memref<16x2048xf32, #tpu.memory_space<vmem>>) offsets(%dma_start3A_114 : memref<16xi32, #tpu.memory_space<vmem>>) semaphore(%arg11 : memref<!tpu.dma_semaphore, #tpu.memory_space<semaphore_mem>>)
        } else {
        }
        %sub3A_101 = arith.constant 1 : i32
        %sub3A_102 = arith.subi %select_n3A, %sub3A_101 : i32
        %eq3A = arith.cmpi eq, %mul3A_77, %sub3A_102 : i32
        %convert_element_type3A_103 = arith.extui %eq3A : i1 to i32
        %cond3A_104 = arith.constant 0 : i32
        %cond3A_105 = arith.cmpi ne, %convert_element_type3A_103, %cond3A_104 : i32
        scf.if %cond3A_105 {
          %mul3A_112 = arith.constant 16 : i32
          %mul3A_113 = arith.muli %mul3A_77, %mul3A_112 : i32
          %sub3A_114 = arith.subi %reduce_max3A_22, %mul3A_113 : i32
          %while3A_115 = arith.constant 0 : i32
          %while3A_116 = arith.constant 16 : i32
          %while3A_117 = arith.subi %while3A_116, %sub3A_114 : i32
          %while3A_118 = arith.addi %sub3A_114, %while3A_117 : i32
          %while3A_119 = arith.constant 1 : i32
          %while3A_120 = arith.divsi %while3A_117, %while3A_119 : i32
          %while3A_121 = arith.muli %while3A_120, %while3A_119 : i32
          %while3A_122 = arith.addi %sub3A_114, %while3A_121 : i32
          %while3A_123 = arith.constant 1 : i32
          scf.for %while3A_125 = %sub3A_114 to %while3A_122 step %while3A_123  : i32 {
            "tpu.region"() ({
              %run_scoped3A = tpu.sem_alloc : memref<!tpu.dma_semaphore, #tpu.memory_space<semaphore_mem>>
              %dma_start3A_126 = arith.constant 0 : i32
              %dma_start3A_127 = tpu.memref_slice %arg8[%while3A_125, %dma_start3A_126] : memref<16x2048xf32, #tpu.memory_space<vmem>> -> memref<1x2048xf32, #tpu.memory_space<vmem>>
              %dma_start3A_128 = arith.constant 0 : i32
              %dma_start3A_129 = arith.constant 0 : i32
              %dma_start3A_130 = tpu.memref_slice %arg4[%dma_start3A_128, %dma_start3A_129] : memref<16x2048xf32, #tpu.memory_space<hbm>> -> memref<1x2048xf32, #tpu.memory_space<hbm>>
              %dma_start3A_131 = arith.constant 0 : i32
              %dma_start3A_132 = tpu.memref_slice %arg8[%while3A_125, %dma_start3A_131] : memref<16x2048xf32, #tpu.memory_space<vmem>> -> memref<1x2048xf32, #tpu.memory_space<vmem>>
              %dma_start3A_133 = arith.constant 0 : i32
              %dma_start3A_134 = arith.constant 0 : i32
              %dma_start3A_135 = tpu.memref_slice %arg4[%dma_start3A_133, %dma_start3A_134] : memref<16x2048xf32, #tpu.memory_space<hbm>> -> memref<1x2048xf32, #tpu.memory_space<hbm>>
              tpu.enqueue_dma source(%dma_start3A_135 : memref<1x2048xf32, #tpu.memory_space<hbm>>) target(%dma_start3A_132 : memref<1x2048xf32, #tpu.memory_space<vmem>>) target_semaphore(%run_scoped3A : memref<!tpu.dma_semaphore, #tpu.memory_space<semaphore_mem>>)
              %dma_wait3A_136 = arith.constant 0 : i32
              %dma_wait3A_137 = tpu.memref_slice %arg8[%while3A_125, %dma_wait3A_136] : memref<16x2048xf32, #tpu.memory_space<vmem>> -> memref<1x2048xf32, #tpu.memory_space<vmem>>
              %dma_wait3A_138 = arith.constant 0 : i32
              %dma_wait3A_139 = arith.constant 0 : i32
              %dma_wait3A_140 = tpu.memref_slice %arg4[%dma_wait3A_138, %dma_wait3A_139] : memref<16x2048xf32, #tpu.memory_space<hbm>> -> memref<1x2048xf32, #tpu.memory_space<hbm>>
              %dma_wait3A_141 = arith.constant 0 : i32
              %dma_wait3A_142 = tpu.memref_slice %arg8[%while3A_125, %dma_wait3A_141] : memref<16x2048xf32, #tpu.memory_space<vmem>> -> memref<1x2048xf32, #tpu.memory_space<vmem>>
              %dma_wait3A_143 = arith.constant 0 : i32
              %dma_wait3A_144 = arith.constant 0 : i32
              %dma_wait3A_145 = tpu.memref_slice %arg4[%dma_wait3A_143, %dma_wait3A_144] : memref<16x2048xf32, #tpu.memory_space<hbm>> -> memref<1x2048xf32, #tpu.memory_space<hbm>>
              tpu.wait_dma2 semaphore(%run_scoped3A : memref<!tpu.dma_semaphore, #tpu.memory_space<semaphore_mem>>) src(%dma_wait3A_145 : memref<1x2048xf32, #tpu.memory_space<hbm>>) dst(%dma_wait3A_142 : memref<1x2048xf32, #tpu.memory_space<vmem>>)
              tpu.yield
            }) : () -> ()
          }
          %while3A_124 = arith.constant 1 : i32
          scf.for %while3A_125 = %while3A_122 to %while3A_118 step %while3A_124  : i32 {
            "tpu.region"() ({
              %run_scoped3A = tpu.sem_alloc : memref<!tpu.dma_semaphore, #tpu.memory_space<semaphore_mem>>
              %dma_start3A_126 = arith.constant 0 : i32
              %dma_start3A_127 = tpu.memref_slice %arg8[%while3A_125, %dma_start3A_126] : memref<16x2048xf32, #tpu.memory_space<vmem>> -> memref<1x2048xf32, #tpu.memory_space<vmem>>
              %dma_start3A_128 = arith.constant 0 : i32
              %dma_start3A_129 = arith.constant 0 : i32
              %dma_start3A_130 = tpu.memref_slice %arg4[%dma_start3A_128, %dma_start3A_129] : memref<16x2048xf32, #tpu.memory_space<hbm>> -> memref<1x2048xf32, #tpu.memory_space<hbm>>
              %dma_start3A_131 = arith.constant 0 : i32
              %dma_start3A_132 = tpu.memref_slice %arg8[%while3A_125, %dma_start3A_131] : memref<16x2048xf32, #tpu.memory_space<vmem>> -> memref<1x2048xf32, #tpu.memory_space<vmem>>
              %dma_start3A_133 = arith.constant 0 : i32
              %dma_start3A_134 = arith.constant 0 : i32
              %dma_start3A_135 = tpu.memref_slice %arg4[%dma_start3A_133, %dma_start3A_134] : memref<16x2048xf32, #tpu.memory_space<hbm>> -> memref<1x2048xf32, #tpu.memory_space<hbm>>
              tpu.enqueue_dma source(%dma_start3A_135 : memref<1x2048xf32, #tpu.memory_space<hbm>>) target(%dma_start3A_132 : memref<1x2048xf32, #tpu.memory_space<vmem>>) target_semaphore(%run_scoped3A : memref<!tpu.dma_semaphore, #tpu.memory_space<semaphore_mem>>)
              %dma_wait3A_136 = arith.constant 0 : i32
              %dma_wait3A_137 = tpu.memref_slice %arg8[%while3A_125, %dma_wait3A_136] : memref<16x2048xf32, #tpu.memory_space<vmem>> -> memref<1x2048xf32, #tpu.memory_space<vmem>>
              %dma_wait3A_138 = arith.constant 0 : i32
              %dma_wait3A_139 = arith.constant 0 : i32
              %dma_wait3A_140 = tpu.memref_slice %arg4[%dma_wait3A_138, %dma_wait3A_139] : memref<16x2048xf32, #tpu.memory_space<hbm>> -> memref<1x2048xf32, #tpu.memory_space<hbm>>
              %dma_wait3A_141 = arith.constant 0 : i32
              %dma_wait3A_142 = tpu.memref_slice %arg8[%while3A_125, %dma_wait3A_141] : memref<16x2048xf32, #tpu.memory_space<vmem>> -> memref<1x2048xf32, #tpu.memory_space<vmem>>
              %dma_wait3A_143 = arith.constant 0 : i32
              %dma_wait3A_144 = arith.constant 0 : i32
              %dma_wait3A_145 = tpu.memref_slice %arg4[%dma_wait3A_143, %dma_wait3A_144] : memref<16x2048xf32, #tpu.memory_space<hbm>> -> memref<1x2048xf32, #tpu.memory_space<hbm>>
              tpu.wait_dma2 semaphore(%run_scoped3A : memref<!tpu.dma_semaphore, #tpu.memory_space<semaphore_mem>>) src(%dma_wait3A_145 : memref<1x2048xf32, #tpu.memory_space<hbm>>) dst(%dma_wait3A_142 : memref<1x2048xf32, #tpu.memory_space<vmem>>)
              tpu.yield
            }) : () -> ()
          }
        } else {
        }
        %mul3A_106 = arith.constant 16 : i32
        %mul3A_107 = arith.muli %mul3A_77, %mul3A_106 : i32
        %add3A_108 = arith.addi %mul3A_2, %mul3A_107 : i32
        %dma_start3A = arith.constant 0 : i32
        %dma_start3A_109 = tpu.memref_slice %arg5[%add3A_108, %dma_start3A] : memref<10240x2048xf32, #tpu.memory_space<hbm>> -> memref<16x2048xf32, #tpu.memory_space<hbm>>
        %dma_start3A_110 = arith.constant 0 : i32
        %dma_start3A_111 = tpu.memref_slice %arg5[%add3A_108, %dma_start3A_110] : memref<10240x2048xf32, #tpu.memory_space<hbm>> -> memref<16x2048xf32, #tpu.memory_space<hbm>>
        tpu.enqueue_dma source(%arg8 : memref<16x2048xf32, #tpu.memory_space<vmem>>) target(%dma_start3A_111 : memref<16x2048xf32, #tpu.memory_space<hbm>>) target_semaphore(%arg12 : memref<!tpu.dma_semaphore, #tpu.memory_space<semaphore_mem>>)
      } else {
      }
      %lt3A_85 = arith.cmpi slt, %add3A_81, %select_n3A : i32
      %convert_element_type3A_86 = arith.extui %lt3A_85 : i1 to i32
      %cond3A_87 = arith.constant 0 : i32
      %cond3A_88 = arith.cmpi ne, %convert_element_type3A_86, %cond3A_87 : i32
      scf.if %cond3A_88 {
        %dma_wait3A = arith.constant 0 : i32
        %dma_wait3A_89 = tpu.memref_slice %arg7[%dma_wait3A] : memref<512xi32, #tpu.memory_space<vmem>> -> memref<16xi32, #tpu.memory_space<vmem>>
        %dma_wait3A_90 = arith.constant 0 : i32
        %dma_wait3A_91 = arith.constant 0 : i32
        %dma_wait3A_92 = tpu.memref_slice %arg2[%dma_wait3A_90, %dma_wait3A_91] : memref<8192x2048xf32, #tpu.memory_space<hbm>> -> memref<8192x2048xf32, #tpu.memory_space<hbm>>
        tpu.wait_indirect_dma semaphore(%arg11 : memref<!tpu.dma_semaphore, #tpu.memory_space<semaphore_mem>>) src(%dma_wait3A_92 : memref<8192x2048xf32, #tpu.memory_space<hbm>>) dst(%arg8 : memref<16x2048xf32, #tpu.memory_space<vmem>>)
        %add3A_93 = arith.constant 1 : i32
        %add3A_94 = arith.addi %add3A_81, %add3A_93 : i32
        %lt3A_95 = arith.cmpi slt, %add3A_94, %select_n3A : i32
        %convert_element_type3A_96 = arith.extui %lt3A_95 : i1 to i32
        %cond3A_97 = arith.constant 0 : i32
        %cond3A_98 = arith.cmpi ne, %convert_element_type3A_96, %cond3A_97 : i32
        scf.if %cond3A_98 {
          %add3A_110 = arith.constant 1 : i32
          %add3A_111 = arith.addi %add3A_81, %add3A_110 : i32
          %mul3A_112 = arith.constant 16 : i32
          %mul3A_113 = arith.muli %add3A_111, %mul3A_112 : i32
          %dma_start3A_114 = tpu.memref_slice %arg7[%mul3A_113] : memref<512xi32, #tpu.memory_space<vmem>> -> memref<16xi32, #tpu.memory_space<vmem>>
          %dma_start3A_115 = arith.constant 0 : i32
          %dma_start3A_116 = arith.constant 0 : i32
          %dma_start3A_117 = tpu.memref_slice %arg2[%dma_start3A_115, %dma_start3A_116] : memref<8192x2048xf32, #tpu.memory_space<hbm>> -> memref<8192x2048xf32, #tpu.memory_space<hbm>>
          tpu.enqueue_indirect_dma source(%dma_start3A_117 : memref<8192x2048xf32, #tpu.memory_space<hbm>>) target(%arg8 : memref<16x2048xf32, #tpu.memory_space<vmem>>) offsets(%dma_start3A_114 : memref<16xi32, #tpu.memory_space<vmem>>) semaphore(%arg11 : memref<!tpu.dma_semaphore, #tpu.memory_space<semaphore_mem>>)
        } else {
        }
        tpu.wait_dma2 semaphore(%arg12 : memref<!tpu.dma_semaphore, #tpu.memory_space<semaphore_mem>>) src(%arg4 : memref<16x2048xf32, #tpu.memory_space<hbm>>) dst(%arg8 : memref<16x2048xf32, #tpu.memory_space<vmem>>)
        %sub3A_99 = arith.constant 1 : i32
        %sub3A_100 = arith.subi %select_n3A, %sub3A_99 : i32
        %eq3A = arith.cmpi eq, %add3A_81, %sub3A_100 : i32
        %convert_element_type3A_101 = arith.extui %eq3A : i1 to i32
        %cond3A_102 = arith.constant 0 : i32
        %cond3A_103 = arith.cmpi ne, %convert_element_type3A_101, %cond3A_102 : i32
        scf.if %cond3A_103 {
          %mul3A_110 = arith.constant 16 : i32
          %mul3A_111 = arith.muli %add3A_81, %mul3A_110 : i32
          %sub3A_112 = arith.subi %reduce_max3A_22, %mul3A_111 : i32
          %while3A_113 = arith.constant 0 : i32
          %while3A_114 = arith.constant 16 : i32
          %while3A_115 = arith.subi %while3A_114, %sub3A_112 : i32
          %while3A_116 = arith.addi %sub3A_112, %while3A_115 : i32
          %while3A_117 = arith.constant 1 : i32
          %while3A_118 = arith.divsi %while3A_115, %while3A_117 : i32
          %while3A_119 = arith.muli %while3A_118, %while3A_117 : i32
          %while3A_120 = arith.addi %sub3A_112, %while3A_119 : i32
          %while3A_121 = arith.constant 1 : i32
          scf.for %while3A_123 = %sub3A_112 to %while3A_120 step %while3A_121  : i32 {
            "tpu.region"() ({
              %run_scoped3A = tpu.sem_alloc : memref<!tpu.dma_semaphore, #tpu.memory_space<semaphore_mem>>
              %dma_start3A_124 = arith.constant 0 : i32
              %dma_start3A_125 = tpu.memref_slice %arg9[%while3A_123, %dma_start3A_124] : memref<16x2048xf32, #tpu.memory_space<vmem>> -> memref<1x2048xf32, #tpu.memory_space<vmem>>
              %dma_start3A_126 = arith.constant 0 : i32
              %dma_start3A_127 = arith.constant 0 : i32
              %dma_start3A_128 = tpu.memref_slice %arg4[%dma_start3A_126, %dma_start3A_127] : memref<16x2048xf32, #tpu.memory_space<hbm>> -> memref<1x2048xf32, #tpu.memory_space<hbm>>
              %dma_start3A_129 = arith.constant 0 : i32
              %dma_start3A_130 = tpu.memref_slice %arg9[%while3A_123, %dma_start3A_129] : memref<16x2048xf32, #tpu.memory_space<vmem>> -> memref<1x2048xf32, #tpu.memory_space<vmem>>
              %dma_start3A_131 = arith.constant 0 : i32
              %dma_start3A_132 = arith.constant 0 : i32
              %dma_start3A_133 = tpu.memref_slice %arg4[%dma_start3A_131, %dma_start3A_132] : memref<16x2048xf32, #tpu.memory_space<hbm>> -> memref<1x2048xf32, #tpu.memory_space<hbm>>
              tpu.enqueue_dma source(%dma_start3A_133 : memref<1x2048xf32, #tpu.memory_space<hbm>>) target(%dma_start3A_130 : memref<1x2048xf32, #tpu.memory_space<vmem>>) target_semaphore(%run_scoped3A : memref<!tpu.dma_semaphore, #tpu.memory_space<semaphore_mem>>)
              %dma_wait3A_134 = arith.constant 0 : i32
              %dma_wait3A_135 = tpu.memref_slice %arg9[%while3A_123, %dma_wait3A_134] : memref<16x2048xf32, #tpu.memory_space<vmem>> -> memref<1x2048xf32, #tpu.memory_space<vmem>>
              %dma_wait3A_136 = arith.constant 0 : i32
              %dma_wait3A_137 = arith.constant 0 : i32
              %dma_wait3A_138 = tpu.memref_slice %arg4[%dma_wait3A_136, %dma_wait3A_137] : memref<16x2048xf32, #tpu.memory_space<hbm>> -> memref<1x2048xf32, #tpu.memory_space<hbm>>
              %dma_wait3A_139 = arith.constant 0 : i32
              %dma_wait3A_140 = tpu.memref_slice %arg9[%while3A_123, %dma_wait3A_139] : memref<16x2048xf32, #tpu.memory_space<vmem>> -> memref<1x2048xf32, #tpu.memory_space<vmem>>
              %dma_wait3A_141 = arith.constant 0 : i32
              %dma_wait3A_142 = arith.constant 0 : i32
              %dma_wait3A_143 = tpu.memref_slice %arg4[%dma_wait3A_141, %dma_wait3A_142] : memref<16x2048xf32, #tpu.memory_space<hbm>> -> memref<1x2048xf32, #tpu.memory_space<hbm>>
              tpu.wait_dma2 semaphore(%run_scoped3A : memref<!tpu.dma_semaphore, #tpu.memory_space<semaphore_mem>>) src(%dma_wait3A_143 : memref<1x2048xf32, #tpu.memory_space<hbm>>) dst(%dma_wait3A_140 : memref<1x2048xf32, #tpu.memory_space<vmem>>)
              tpu.yield
            }) : () -> ()
          }
          %while3A_122 = arith.constant 1 : i32
          scf.for %while3A_123 = %while3A_120 to %while3A_116 step %while3A_122  : i32 {
            "tpu.region"() ({
              %run_scoped3A = tpu.sem_alloc : memref<!tpu.dma_semaphore, #tpu.memory_space<semaphore_mem>>
              %dma_start3A_124 = arith.constant 0 : i32
              %dma_start3A_125 = tpu.memref_slice %arg9[%while3A_123, %dma_start3A_124] : memref<16x2048xf32, #tpu.memory_space<vmem>> -> memref<1x2048xf32, #tpu.memory_space<vmem>>
              %dma_start3A_126 = arith.constant 0 : i32
              %dma_start3A_127 = arith.constant 0 : i32
              %dma_start3A_128 = tpu.memref_slice %arg4[%dma_start3A_126, %dma_start3A_127] : memref<16x2048xf32, #tpu.memory_space<hbm>> -> memref<1x2048xf32, #tpu.memory_space<hbm>>
              %dma_start3A_129 = arith.constant 0 : i32
              %dma_start3A_130 = tpu.memref_slice %arg9[%while3A_123, %dma_start3A_129] : memref<16x2048xf32, #tpu.memory_space<vmem>> -> memref<1x2048xf32, #tpu.memory_space<vmem>>
              %dma_start3A_131 = arith.constant 0 : i32
              %dma_start3A_132 = arith.constant 0 : i32
              %dma_start3A_133 = tpu.memref_slice %arg4[%dma_start3A_131, %dma_start3A_132] : memref<16x2048xf32, #tpu.memory_space<hbm>> -> memref<1x2048xf32, #tpu.memory_space<hbm>>
              tpu.enqueue_dma source(%dma_start3A_133 : memref<1x2048xf32, #tpu.memory_space<hbm>>) target(%dma_start3A_130 : memref<1x2048xf32, #tpu.memory_space<vmem>>) target_semaphore(%run_scoped3A : memref<!tpu.dma_semaphore, #tpu.memory_space<semaphore_mem>>)
              %dma_wait3A_134 = arith.constant 0 : i32
              %dma_wait3A_135 = tpu.memref_slice %arg9[%while3A_123, %dma_wait3A_134] : memref<16x2048xf32, #tpu.memory_space<vmem>> -> memref<1x2048xf32, #tpu.memory_space<vmem>>
              %dma_wait3A_136 = arith.constant 0 : i32
              %dma_wait3A_137 = arith.constant 0 : i32
              %dma_wait3A_138 = tpu.memref_slice %arg4[%dma_wait3A_136, %dma_wait3A_137] : memref<16x2048xf32, #tpu.memory_space<hbm>> -> memref<1x2048xf32, #tpu.memory_space<hbm>>
              %dma_wait3A_139 = arith.constant 0 : i32
              %dma_wait3A_140 = tpu.memref_slice %arg9[%while3A_123, %dma_wait3A_139] : memref<16x2048xf32, #tpu.memory_space<vmem>> -> memref<1x2048xf32, #tpu.memory_space<vmem>>
              %dma_wait3A_141 = arith.constant 0 : i32
              %dma_wait3A_142 = arith.constant 0 : i32
              %dma_wait3A_143 = tpu.memref_slice %arg4[%dma_wait3A_141, %dma_wait3A_142] : memref<16x2048xf32, #tpu.memory_space<hbm>> -> memref<1x2048xf32, #tpu.memory_space<hbm>>
              tpu.wait_dma2 semaphore(%run_scoped3A : memref<!tpu.dma_semaphore, #tpu.memory_space<semaphore_mem>>) src(%dma_wait3A_143 : memref<1x2048xf32, #tpu.memory_space<hbm>>) dst(%dma_wait3A_140 : memref<1x2048xf32, #tpu.memory_space<vmem>>)
              tpu.yield
            }) : () -> ()
          }
        } else {
        }
        %mul3A_104 = arith.constant 16 : i32
        %mul3A_105 = arith.muli %add3A_81, %mul3A_104 : i32
        %add3A_106 = arith.addi %mul3A_2, %mul3A_105 : i32
        %dma_start3A = arith.constant 0 : i32
        %dma_start3A_107 = tpu.memref_slice %arg5[%add3A_106, %dma_start3A] : memref<10240x2048xf32, #tpu.memory_space<hbm>> -> memref<16x2048xf32, #tpu.memory_space<hbm>>
        %dma_start3A_108 = arith.constant 0 : i32
        %dma_start3A_109 = tpu.memref_slice %arg5[%add3A_106, %dma_start3A_108] : memref<10240x2048xf32, #tpu.memory_space<hbm>> -> memref<16x2048xf32, #tpu.memory_space<hbm>>
        tpu.enqueue_dma source(%arg9 : memref<16x2048xf32, #tpu.memory_space<vmem>>) target(%dma_start3A_109 : memref<16x2048xf32, #tpu.memory_space<hbm>>) target_semaphore(%arg12 : memref<!tpu.dma_semaphore, #tpu.memory_space<semaphore_mem>>)
      } else {
      }
    }
    %scan3A_50 = arith.constant 10 : i32
    %gt3A_51 = arith.constant 0 : i32
    %gt3A_52 = arith.cmpi sgt, %select_n3A, %gt3A_51 : i32
    %convert_element_type3A_53 = arith.extui %gt3A_52 : i1 to i32
    %cond3A_54 = arith.constant 0 : i32
    %cond3A_55 = arith.cmpi ne, %convert_element_type3A_53, %cond3A_54 : i32
    scf.if %cond3A_55 {
      tpu.wait_dma2 semaphore(%arg12 : memref<!tpu.dma_semaphore, #tpu.memory_space<semaphore_mem>>) src(%arg4 : memref<16x2048xf32, #tpu.memory_space<hbm>>) dst(%arg8 : memref<16x2048xf32, #tpu.memory_space<vmem>>)
    } else {
    }
    %while3A = arith.constant 0 : i32
    %while3A_56 = arith.constant 20 : i32
    %while3A_57 = arith.subi %while3A_56, %select_n3A : i32
    %while3A_58 = arith.addi %select_n3A, %while3A_57 : i32
    %while3A_59 = arith.constant 1 : i32
    %while3A_60 = arith.divsi %while3A_57, %while3A_59 : i32
    %while3A_61 = arith.muli %while3A_60, %while3A_59 : i32
    %while3A_62 = arith.addi %select_n3A, %while3A_61 : i32
    %while3A_63 = arith.constant 1 : i32
    scf.for %while3A_75 = %select_n3A to %while3A_62 step %while3A_63  : i32 {
      %mul3A_76 = arith.constant 16 : i32
      %mul3A_77 = arith.muli %while3A_75, %mul3A_76 : i32
      %add3A_78 = arith.addi %mul3A_2, %mul3A_77 : i32
      %dma_start3A = arith.constant 0 : i32
      %dma_start3A_79 = tpu.memref_slice %arg5[%add3A_78, %dma_start3A] : memref<10240x2048xf32, #tpu.memory_space<hbm>> -> memref<16x2048xf32, #tpu.memory_space<hbm>>
      %dma_start3A_80 = arith.constant 0 : i32
      %dma_start3A_81 = tpu.memref_slice %arg5[%add3A_78, %dma_start3A_80] : memref<10240x2048xf32, #tpu.memory_space<hbm>> -> memref<16x2048xf32, #tpu.memory_space<hbm>>
      tpu.enqueue_dma source(%arg10 : memref<16x2048xf32, #tpu.memory_space<vmem>>) target(%dma_start3A_81 : memref<16x2048xf32, #tpu.memory_space<hbm>>) target_semaphore(%arg12 : memref<!tpu.dma_semaphore, #tpu.memory_space<semaphore_mem>>)
    }
    %while3A_64 = arith.constant 1 : i32
    scf.for %while3A_75 = %while3A_62 to %while3A_58 step %while3A_64  : i32 {
      %mul3A_76 = arith.constant 16 : i32
      %mul3A_77 = arith.muli %while3A_75, %mul3A_76 : i32
      %add3A_78 = arith.addi %mul3A_2, %mul3A_77 : i32
      %dma_start3A = arith.constant 0 : i32
      %dma_start3A_79 = tpu.memref_slice %arg5[%add3A_78, %dma_start3A] : memref<10240x2048xf32, #tpu.memory_space<hbm>> -> memref<16x2048xf32, #tpu.memory_space<hbm>>
      %dma_start3A_80 = arith.constant 0 : i32
      %dma_start3A_81 = tpu.memref_slice %arg5[%add3A_78, %dma_start3A_80] : memref<10240x2048xf32, #tpu.memory_space<hbm>> -> memref<16x2048xf32, #tpu.memory_space<hbm>>
      tpu.enqueue_dma source(%arg10 : memref<16x2048xf32, #tpu.memory_space<vmem>>) target(%dma_start3A_81 : memref<16x2048xf32, #tpu.memory_space<hbm>>) target_semaphore(%arg12 : memref<!tpu.dma_semaphore, #tpu.memory_space<semaphore_mem>>)
    }
    %while3A_65 = arith.constant 0 : i32
    %while3A_66 = arith.constant 20 : i32
    %while3A_67 = arith.subi %while3A_66, %select_n3A : i32
    %while3A_68 = arith.addi %select_n3A, %while3A_67 : i32
    %while3A_69 = arith.constant 1 : i32
    %while3A_70 = arith.divsi %while3A_67, %while3A_69 : i32
    %while3A_71 = arith.muli %while3A_70, %while3A_69 : i32
    %while3A_72 = arith.addi %select_n3A, %while3A_71 : i32
    %while3A_73 = arith.constant 1 : i32
    scf.for %while3A_75 = %select_n3A to %while3A_72 step %while3A_73  : i32 {
      tpu.wait_dma2 semaphore(%arg12 : memref<!tpu.dma_semaphore, #tpu.memory_space<semaphore_mem>>) src(%arg4 : memref<16x2048xf32, #tpu.memory_space<hbm>>) dst(%arg8 : memref<16x2048xf32, #tpu.memory_space<vmem>>)
    }
    %while3A_74 = arith.constant 1 : i32
    scf.for %while3A_75 = %while3A_72 to %while3A_68 step %while3A_74  : i32 {
      tpu.wait_dma2 semaphore(%arg12 : memref<!tpu.dma_semaphore, #tpu.memory_space<semaphore_mem>>) src(%arg4 : memref<16x2048xf32, #tpu.memory_space<hbm>>) dst(%arg8 : memref<16x2048xf32, #tpu.memory_space<vmem>>)
    }
    return
  }
}

module attributes {stable_mosaic.version = 14 : i64} {
  func.func @_router_body(%arg0: i32, %arg1: memref<1024x2048xf32, #tpu.memory_space<vmem>>, %arg2: memref<2048x8xf32, #tpu.memory_space<vmem>>, %arg3: memref<1x8xf32, #tpu.memory_space<vmem>>, %arg4: memref<1x1024x1xi32, #tpu.memory_space<vmem>>, %arg5: memref<1x8xf32, #tpu.memory_space<vmem>>, %arg6: memref<1024x1024xf32, #tpu.memory_space<vmem>>) attributes {dimension_semantics = [#tpu.dimension_semantics<arbitrary>], iteration_bounds = array<i64: 8>, scalar_prefetch = 0 : i64, scratch_operands = 2 : i64, tpu.core_type = #tpu.core_type<tc>, window_params = [{transform_indices = @transform_0, window_bounds = array<i64: 1024, 2048>}, {pipeline_mode = #tpu.pipeline_mode<synchronous>, transform_indices = @transform_1, window_bounds = array<i64: 2048, 8>}, {pipeline_mode = #tpu.pipeline_mode<synchronous>, transform_indices = @transform_2, window_bounds = array<i64: 1, 8>}, {transform_indices = @transform_3, window_bounds = array<i64: 1, 1024, 1>}]} {
    %eq3A = arith.constant 0 : i32
    %eq3A_0 = arith.cmpi eq, %arg0, %eq3A : i32
    %convert_element_type3A = arith.extui %eq3A_0 : i1 to i32
    %cond3A = arith.constant 0 : i32
    %cond3A_1 = arith.cmpi ne, %convert_element_type3A, %cond3A : i32
    scf.if %cond3A_1 {
      %broadcast_in_dim3A_56 = arith.constant 0.000000e+00 : f32
      %broadcast_in_dim3A_57 = vector.broadcast %broadcast_in_dim3A_56 : f32 to vector<1x8xf32>
      %swap3A_58 = arith.constant 0 : index
      %swap3A_59 = arith.constant 0 : index
      %swap3A_60 = vector.load %arg5[%swap3A_58, %swap3A_59] : memref<1x8xf32, #tpu.memory_space<vmem>>, vector<1x8xf32>
      tpu.vector_store %arg5[%swap3A_58, %swap3A_59], %broadcast_in_dim3A_57 {strides = array<i32>} : memref<1x8xf32, #tpu.memory_space<vmem>>, vector<1x8xf32>,
      %iota3A_61 = tpu.iota {dimensions = array<i32: 0>} : vector<1024x1024xi32>
      %iota3A_62 = tpu.iota {dimensions = array<i32: 1>} : vector<1024x1024xi32>
      %ge3A = arith.cmpi sge, %iota3A_61, %iota3A_62 : vector<1024x1024xi32>
      %convert_element_type3A_63 = arith.extui %ge3A : vector<1024x1024xi1> to vector<1024x1024xi32>
      %convert_element_type3A_64 = arith.sitofp %convert_element_type3A_63 : vector<1024x1024xi32> to vector<1024x1024xf32>
      %swap3A_65 = arith.constant 0 : index
      %swap3A_66 = arith.constant 0 : index
      %swap3A_67 = vector.load %arg6[%swap3A_65, %swap3A_66] : memref<1024x1024xf32, #tpu.memory_space<vmem>>, vector<1024x1024xf32>
      tpu.vector_store %arg6[%swap3A_65, %swap3A_66], %convert_element_type3A_64 {strides = array<i32>} : memref<1024x1024xf32, #tpu.memory_space<vmem>>, vector<1024x1024xf32>,
    } else {
    }
    %get3A = arith.constant 0 : index
    %get3A_2 = arith.constant 0 : index
    %get3A_3 = vector.load %arg1[%get3A, %get3A_2] : memref<1024x2048xf32, #tpu.memory_space<vmem>>, vector<1024x2048xf32>
    %get3A_4 = arith.constant 0 : index
    %get3A_5 = arith.constant 0 : index
    %get3A_6 = vector.load %arg2[%get3A_4, %get3A_5] : memref<2048x8xf32, #tpu.memory_space<vmem>>, vector<2048x8xf32>
    %dot_general3A = arith.constant dense<0.000000e+00> : vector<1024x8xf32>
    %dot_general3A_7 = tpu.matmul %get3A_3, %get3A_6, %dot_general3A {dimension_numbers = #tpu.dot_dimension_numbers<[1], [0], [0], [1], [0, 0, 1, 1], [], []>, transpose_lhs_hint = false} : vector<1024x2048xf32>, vector<2048x8xf32>, vector<1024x8xf32> -> vector<1024x8xf32>
    %get3A_8 = arith.constant 0 : index
    %get3A_9 = arith.constant 0 : index
    %get3A_10 = vector.load %arg3[%get3A_8, %get3A_9] : memref<1x8xf32, #tpu.memory_space<vmem>>, vector<1x8xf32>
    %add3A = vector.broadcast %get3A_10 : vector<1x8xf32> to vector<1024x8xf32>
    %add3A_11 = arith.addf %dot_general3A_7, %add3A : vector<1024x8xf32>
    %iota3A = tpu.iota {dimensions = array<i32: 1>} : vector<1024x8xi32>
    %reduce_max3A = arith.constant dense<0xFF800000> : vector<1024xf32>
    %reduce_max3A_12 = vector.multi_reduction <maximumf>, %add3A_11, %reduce_max3A [1] : vector<1024x8xf32> to vector<1024xf32>
    %broadcast_in_dim3A = vector.shape_cast %reduce_max3A_12 : vector<1024xf32> to vector<1024x1xf32>
    %eq3A_13 = vector.broadcast %broadcast_in_dim3A : vector<1024x1xf32> to vector<1024x8xf32>
    %eq3A_14 = arith.cmpf oeq, %add3A_11, %eq3A_13 : vector<1024x8xf32>
    %jit3A = arith.constant 8 : i32
    %broadcast_in_dim3A_15 = vector.broadcast %jit3A : i32 to vector<1024x8xi32>
    %select_n3A = arith.select %eq3A_14, %iota3A, %broadcast_in_dim3A_15 : vector<1024x8xi1>, vector<1024x8xi32>
    %reduce_min3A = arith.constant dense<2147483647> : vector<1024xi32>
    %reduce_min3A_16 = vector.multi_reduction <minsi>, %select_n3A, %reduce_min3A [1] : vector<1024x8xi32> to vector<1024xi32>
    %broadcast_in_dim3A_17 = vector.shape_cast %reduce_min3A_16 : vector<1024xi32> to vector<1024x1xi32>
    %eq3A_18 = vector.broadcast %broadcast_in_dim3A_17 : vector<1024x1xi32> to vector<1024x8xi32>
    %eq3A_19 = arith.cmpi eq, %iota3A, %eq3A_18 : vector<1024x8xi32>
    %convert_element_type3A_20 = arith.extui %eq3A_19 : vector<1024x8xi1> to vector<1024x8xi32>
    %convert_element_type3A_21 = arith.sitofp %convert_element_type3A_20 : vector<1024x8xi32> to vector<1024x8xf32>
    %get3A_22 = arith.constant 0 : index
    %get3A_23 = arith.constant 0 : index
    %get3A_24 = vector.load %arg6[%get3A_22, %get3A_23] : memref<1024x1024xf32, #tpu.memory_space<vmem>>, vector<1024x1024xf32>
    %dot_general3A_25 = arith.constant dense<0.000000e+00> : vector<1024x8xf32>
    %dot_general3A_26 = tpu.matmul %get3A_24, %convert_element_type3A_21, %dot_general3A_25 {dimension_numbers = #tpu.dot_dimension_numbers<[1], [0], [0], [1], [0, 0, 1, 1], [], []>, transpose_lhs_hint = false} : vector<1024x1024xf32>, vector<1024x8xf32>, vector<1024x8xf32> -> vector<1024x8xf32>
    %get3A_27 = arith.constant 0 : index
    %get3A_28 = arith.constant 0 : index
    %get3A_29 = vector.load %arg5[%get3A_27, %get3A_28] : memref<1x8xf32, #tpu.memory_space<vmem>>, vector<1x8xf32>
    %add3A_30 = vector.broadcast %get3A_29 : vector<1x8xf32> to vector<1024x8xf32>
    %add3A_31 = arith.addf %dot_general3A_26, %add3A_30 : vector<1024x8xf32>
    %mul3A = arith.mulf %convert_element_type3A_21, %add3A_31 : vector<1024x8xf32>
    %reduce_sum3A = arith.constant dense<0.000000e+00> : vector<1024xf32>
    %reduce_sum3A_32 = vector.multi_reduction <add>, %mul3A, %reduce_sum3A [1] : vector<1024x8xf32> to vector<1024xf32>
    %broadcast_in_dim3A_33 = vector.shape_cast %reduce_sum3A_32 : vector<1024xf32> to vector<1024x1xf32>
    %sub3A = arith.constant 1.000000e+00 : f32
    %sub3A_34 = vector.broadcast %sub3A : f32 to vector<1024x1xf32>
    %sub3A_35 = arith.subf %broadcast_in_dim3A_33, %sub3A_34 : vector<1024x1xf32>
    %convert_element_type3A_36 = arith.fptosi %sub3A_35 : vector<1024x1xf32> to vector<1024x1xi32>
    %lt3A = arith.constant 1280 : i32
    %lt3A_37 = vector.broadcast %lt3A : i32 to vector<1024x1xi32>
    %lt3A_38 = arith.cmpi slt, %convert_element_type3A_36, %lt3A_37 : vector<1024x1xi32>
    %mul3A_39 = arith.constant 1280 : i32
    %mul3A_40 = vector.broadcast %mul3A_39 : i32 to vector<1024x1xi32>
    %mul3A_41 = arith.muli %broadcast_in_dim3A_17, %mul3A_40 : vector<1024x1xi32>
    %add3A_42 = arith.addi %mul3A_41, %convert_element_type3A_36 : vector<1024x1xi32>
    %jit3A_43 = arith.constant 10240 : i32
    %broadcast_in_dim3A_44 = vector.broadcast %jit3A_43 : i32 to vector<1024x1xi32>
    %select_n3A_45 = arith.select %lt3A_38, %add3A_42, %broadcast_in_dim3A_44 : vector<1024x1xi1>, vector<1024x1xi32>
    %reshape3A = vector.shape_cast %select_n3A_45 : vector<1024x1xi32> to vector<1x1024x1xi32>
    %swap3A = arith.constant 0 : index
    %swap3A_46 = arith.constant 0 : index
    %swap3A_47 = arith.constant 0 : index
    %swap3A_48 = vector.load %arg4[%swap3A, %swap3A_46, %swap3A_47] : memref<1x1024x1xi32, #tpu.memory_space<vmem>>, vector<1x1024x1xi32>
    tpu.vector_store %arg4[%swap3A, %swap3A_46, %swap3A_47], %reshape3A {strides = array<i32>} : memref<1x1024x1xi32, #tpu.memory_space<vmem>>, vector<1x1024x1xi32>,
    %reduce_sum3A_49 = arith.constant dense<0.000000e+00> : vector<8xf32>
    %reduce_sum3A_50 = vector.multi_reduction <add>, %convert_element_type3A_21, %reduce_sum3A_49 [0] : vector<1024x8xf32> to vector<8xf32>
    %broadcast_in_dim3A_51 = vector.shape_cast %reduce_sum3A_50 : vector<8xf32> to vector<1x8xf32>
    %add3A_52 = arith.addf %get3A_29, %broadcast_in_dim3A_51 : vector<1x8xf32>
    %swap3A_53 = arith.constant 0 : index
    %swap3A_54 = arith.constant 0 : index
    %swap3A_55 = vector.load %arg5[%swap3A_53, %swap3A_54] : memref<1x8xf32, #tpu.memory_space<vmem>>, vector<1x8xf32>
    tpu.vector_store %arg5[%swap3A_53, %swap3A_54], %add3A_52 {strides = array<i32>} : memref<1x8xf32, #tpu.memory_space<vmem>>, vector<1x8xf32>,
    return
  }
  func.func @transform_0(%arg0: i32) -> (i32, i32) {
    %c0_i32 = arith.constant 0 : i32
    %c0_i32_0 = arith.constant 0 : i32
    return %arg0, %c0_i32 : i32, i32
  }
  func.func @transform_1(%arg0: i32) -> (i32, i32) {
    %c0_i32 = arith.constant 0 : i32
    %c0_i32_0 = arith.constant 0 : i32
    %c0_i32_1 = arith.constant 0 : i32
    return %c0_i32, %c0_i32_0 : i32, i32
  }
  func.func @transform_2(%arg0: i32) -> (i32, i32) {
    %c0_i32 = arith.constant 0 : i32
    %c0_i32_0 = arith.constant 0 : i32
    %c0_i32_1 = arith.constant 0 : i32
    return %c0_i32, %c0_i32_0 : i32, i32
  }
  func.func @transform_3(%arg0: i32) -> (i32, i32, i32) {
    %c0_i32 = arith.constant 0 : i32
    %c0_i32_0 = arith.constant 0 : i32
    %c0_i32_1 = arith.constant 0 : i32
    return %arg0, %c0_i32, %c0_i32_0 : i32, i32, i32
  }
}

</mosaic_0001>

<sc_bundles>
// kernel: kernel.4.cloned.1.call-start
scs
__scs_entry_jumppad:
0x0: {  	(pc) =	sbr.rel $0x88, $3  }
0x1: {  	(tag) =	ssettag $0x0;
	lr =	simm.s32 $0x1  }
0x2: {  	[smem:$0x3F9E] =	sst lr;
	_ =	strace $0xD0000000  }
0x3: {  	_ = 	snop  }
0x4: {  	_ = 	snop  }
0x5: {  	_ = 	snop  }
0x6: {  	_ = 	snop  }
0x7: {  	_ = 	snop  }
__scs_overlays_trampoline_lowered:
0x8: {  	[smem:$0x3FAD] =	sst s0  }
0x9: {  	[smem:$0x3FAE] =	sst s1  }
0xa: {  	[smem:$0x3FAF] =	sst s2  }
0xb: {  	[smem:$0x3FB0] =	sst s3  }
0xc: {  	[smem:$0x3FB1] =	sst s4  }
0xd: {  	[smem:$0x3FB2] =	sst s5  }
0xe: {  	[smem:$0x3FB3] =	sst s6  }
0xf: {  	[smem:$0x3FB4] =	sst s7  }
0x10: {  	[smem:$0x3FB5] =	sst s8  }
0x11: {  	[smem:$0x3FB6] =	sst s9;
	s0 =	simm.s32 @!p0 $0x0  }
0x12: {  	s1 =	sld [smem:$0x3F9C];
	s0 =	simm.s32 @p0 $0x1  }
0x13: {  	[smem:$0x3FB7] =	sst s0;
	s0 =	simm.s32 @!p1 $0x0  }
0x14: {  	s2 =	sld [smem:$0x3F9B];
	s0 =	simm.s32 @p1 $0x1  }
0x15: {  	[smem:$0x3FB8] =	sst s0;
	s0 =	simm.s32 @!p2 $0x0  }
0x16: {  	s3 =	sld [smem:$0x3FDB];
	s0 =	simm.s32 @p2 $0x1  }
0x17: {  	s4 =	simm.s32 $0x1BF5;
	[smem:$0x3FBA] =	sst s0  }
0x18: {  	s0 =	sld [smem:$0x3F9D];
	_ =	swait.ge [sflag:s4], $0x0  }
0x19: {  	s7 =	sld [smem:$0x3F9E]  }
0x1a: {  	s8 =	sadd.s32 $0xFFFFE003, lr  }
0x1b: {  	s9 =	sadd.s32 $0xFFFFFEF7, lr;
	s5 =	simm.s32 $0xFFFFFFFF;
	p2 =	slt.u32 s8, $0xFFFFF086  }
0x1c: {  	p1 =	slt.u32 s9, $0xF7A;
	s5 =	simm.s32 @!p2 $0x0  }
0x1d: {  	s5 =	simm.s32 @p1 $0x1;
	p0 =	seq.s32 s7, s2  }
0x1e: {  	s7 =	smul.u32 @!p0 $0xF7A, s2;
	p2 =	seq.s32 @!p0 s5, $0x0  }
0x1f: {  	s9 =	smul.u32 $0xF7A, s1;
	s8 =	simm.s32 @!p0 $0x1BF5;
	p2 =	por !p2, p0  }
0x20: {  	[sflag:s8] =	ssyncset.s32 @!p0 $0xFFFFF086;
	s6 =	sadd.s32 @!p0 s3, s7;
	s7 =	simm.s32 @!p0 $0x108  }
0x21: {  	s3 =	sadd.s32 s3, s9;
	s6 =	sadd.s32 @!p0 $0x88, s6;
	s7 =	simm.s32 @p2 $0x1082  }
0x22: {  	[simem:s7], [sflag:s8] =	dma.local @!p0 [hbm:s6], $0xF7A  }
0x23: {  	s9 =	sor.u32 $0xD0000000, s2;
	s6 =	simm.s32 $0x108;
	_ =	swait.ge @!p0 [sflag:s8], $0x0  }
0x24: {  	s3 =	sadd.s32 $0x88, s3;
	s6 =	simm.s32 @!p1 $0x1082;
	[sflag:s4] =	ssyncset.s32 $0xFFFFF086  }
0x25: {  	[simem:s6], [sflag:s4] =	dma.local [hbm:s3], $0xF7A  }
0x26: {  	[smem:$0x3F9E] =	sst s1;
	(tag) =	ssettag s2;
	_ =	strace s9  }
0x27: {  	s1 =	sld [smem:$0x3FAE]  }
0x28: {  	s2 =	sld [smem:$0x3FAF]  }
0x29: {  	s4 =	sld [smem:$0x3FB1]  }
0x2a: {  	p0 =	seq.s32 s5, $0x0;
	s5 =	sld [smem:$0x3FB2]  }
0x2b: {  	s6 =	sld [smem:$0x3FB3]  }
0x2c: {  	s7 =	sld [smem:$0x3FB4]  }
0x2d: {  	s3 =	simm.s32 $0x108;
	s8 =	sld [smem:$0x3FB5]  }
0x2e: {  	s3 =	simm.s32 @!p0 $0x1082;
	s9 =	sld [smem:$0x3FB6]  }
0x2f: {  	lr =	sadd.s32 s0, s3;
	s0 =	sld [smem:$0x3FAD]  }
0x30: {  	s3 =	sld [smem:$0x3FB0]  }
0x31: {  	[smem:$0x3FB9] =	sst s10  }
0x32: {  	s10 =	sld [smem:$0x3FB7];
	_ =	sdelay $0x3  }
0x33: {  	p0 =	seq.s32 s10, $0x1;
	s10 =	sld [smem:$0x3FB9];
	_ =	sdelay $0x3  }
0x34: {  	[smem:$0x3FB9] =	sst s10  }
0x35: {  	s10 =	sld [smem:$0x3FB8];
	_ =	sdelay $0x3  }
0x36: {  	p1 =	seq.s32 s10, $0x1;
	s10 =	sld [smem:$0x3FB9];
	_ =	sdelay $0x3  }
0x37: {  	[smem:$0x3FB9] =	sst s10  }
0x38: {  	s10 =	sld [smem:$0x3FBA]  }
0x39: {  	_ = 	snop;
	(pc) =	sbr.ind lr, $3  }
0x3a: {  	_ = 	snop  }
0x3b: {  	_ = 	snop  }
0x3c: {  	p2 =	seq.s32 s10, $0x1;
	s10 =	sld [smem:$0x3FB9]  }
0x3d: {  	_ =	shalt  }
0x3e: {  	_ =	shalt  }
0x3f: {  	_ =	shalt  }
0x40: {  	_ =	shalt  }
0x41: {  	_ =	shalt  }
0x42: {  	_ =	shalt  }
0x43: {  	_ =	shalt  }
0x44: {  	_ =	shalt  }
0x45: {  	_ =	shalt  }
0x46: {  	_ =	shalt  }
0x47: {  	_ =	shalt  }
0x48: {  	_ =	shalt  }
0x49: {  	_ =	shalt  }
0x4a: {  	_ =	shalt  }
0x4b: {  	_ =	shalt  }
0x4c: {  	_ =	shalt  }
0x4d: {  	_ =	shalt  }
0x4e: {  	_ =	shalt  }
0x4f: {  	_ =	shalt  }
0x50: {  	_ =	shalt  }
0x51: {  	_ =	shalt  }
0x52: {  	_ =	shalt  }
0x53: {  	_ =	shalt  }
0x54: {  	_ =	shalt  }
0x55: {  	_ =	shalt  }
0x56: {  	_ =	shalt  }
0x57: {  	_ =	shalt  }
0x58: {  	_ =	shalt  }
0x59: {  	_ =	shalt  }
0x5a: {  	_ =	shalt  }
0x5b: {  	_ =	shalt  }
0x5c: {  	_ =	shalt  }
0x5d: {  	_ =	shalt  }
0x5e: {  	_ =	shalt  }
0x5f: {  	_ =	shalt  }
0x60: {  	_ =	shalt  }
0x61: {  	_ =	shalt  }
0x62: {  	_ =	shalt  }
0x63: {  	_ =	shalt  }
0x64: {  	_ =	shalt  }
0x65: {  	_ =	shalt  }
0x66: {  	_ =	shalt  }
0x67: {  	_ =	shalt  }
0x68: {  	_ =	shalt  }
0x69: {  	_ =	shalt  }
0x6a: {  	_ =	shalt  }
0x6b: {  	_ =	shalt  }
0x6c: {  	_ =	shalt  }
0x6d: {  	_ =	shalt  }
0x6e: {  	_ =	shalt  }
0x6f: {  	_ =	shalt  }
0x70: {  	_ =	shalt  }
0x71: {  	_ =	shalt  }
0x72: {  	_ =	shalt  }
0x73: {  	_ =	shalt  }
0x74: {  	_ =	shalt  }
0x75: {  	_ =	shalt  }
0x76: {  	_ =	shalt  }
0x77: {  	_ =	shalt  }
0x78: {  	_ =	shalt  }
0x79: {  	_ =	shalt  }
0x7a: {  	_ =	shalt  }
0x7b: {  	_ =	shalt  }
0x7c: {  	_ =	shalt  }
0x7d: {  	_ =	shalt  }
0x7e: {  	_ =	shalt  }
0x7f: {  	_ =	shalt  }
0x80: {  	_ =	shalt  }
0x81: {  	_ =	shalt  }
0x82: {  	_ =	shalt  }
0x83: {  	_ =	shalt  }
0x84: {  	_ =	shalt  }
0x85: {  	_ =	shalt  }
0x86: {  	_ =	shalt  }
0x87: {  	_ =	shalt  }
.Lfunc_end0:
.L_simem_size_0:
called_computation_lowered:
.L_overlay_start_0:
0x88: {  	s2 =	sld [smem:$0x3FD9]  }
0x89: {  	s3 =	sld [smem:$0x3FFE];
	_ =	sdelay $0x1  }
0x8a: {  	s1 =	srdreg.scid  }
0x8b: {  	s0 =	sand.u32 $0x1, s1  }
0x8c: {  	s17 =	sshll.u32 s0, $0xA;
	s2 =	sadd.s32 s3, s2  }
0x8d: {  	s2 =	sadd.s32 s2, s17  }
0x8e: {  	[smem:$0x3FC5] =	sst s2  }
0x8f: {  	_ = 	snop  }
0x90: {  	s2 =	sld [smem:$0x3FC9]  }
0x91: {  	s18 =	sld [smem:$0x3FD0];
	(tm) =	ssettm $0x1  }
0x92: {  	s4 =	sld [smem:$0x3FFB];
	_ =	sdelay $0x3  }
0x93: {  	_ =	strace s4  }
0x94: {  	s4 =	sld [smem:$0x3FFC];
	_ =	sdelay $0x3  }
0x95: {  	_ =	strace s4  }
0x96: {  	s4 =	sld [smem:$0x3FFD];
	_ =	sdelay $0x3  }
0x97: {  	_ =	strace s4  }
0x98: {  	_ =	strace $0x8FFFFFFF  }
0x99: {  	s19 =	sld [smem:$0x3FDB];
	_ =	sdelay $0x1  }
0x9a: {  	s5 =	simm.s32 $_scs_section_size  }
0x9b: {  	s6 =	simm.s32 $_size__tile_overlayer_lowered;
	s7 =	simm.s32 $_tile_overlayer_lowered  }
0x9c: {  	s22 =	simm.s32 $0x1BFF;
	s21 =	sshll.u32 s7, $0x1;
	s4 =	sadd.s32 s5, s19  }
0x9d: {  	s8 =	simm.s32 $0x0;
	s20 =	sshll.u32 s6, $0x1;
	s6 =	sadd.s32 s21, s4  }
0x9e: {  	[timem:s8], [sflag:s22] =	dma.local [hbm:s6], s20  }
0x9f: {  	_ =	swait.ge [sflag:s22], s20  }
0xa0: {  	s5 =	ssub.s32 $0x0, s20;
	[sflag:s22] =	ssyncset.done $0x0  }
0xa1: {  	[sflag:s22] =	ssyncadd.s32 s5;
	_ =	sdelay $0x1  }
0xa2: {  	s23 =	simm.s32 $0x1B8B  }
0xa3: {  	_ =	swait.ge [sflag:s23], $0x1  }
0xa4: {  	[sflag:s23] =	ssyncset.done $0x0  }
0xa5: {  	s25 =	simm.s32 $0x1B8E;
	s24 =	sld [smem:$0x3FFE];
	[sflag:s23] =	ssyncadd.s32 $0xFFFFFFFF  }
0xa6: {  	s26 =	simm.s32 $execute0_lowered;
	[smem:$0x3FD2] =	sst s25  }
0xa7: {  	s6 =	sshll.u32 s26, $0x1;
	_ =	strace $0x80000046;
	[dreg:$0x1] =	wrdreg $0xFFFFFFFF  }
0xa8: {  	s28 =	simm.s32 $_size_execute0_lowered;
	s4 =	sadd.s32 s4, s6;
	[dreg:$0x0] =	wrdreg $0x0  }
0xa9: {  	s6 =	sshll.u32 s28, $0x1;
	[dreg:$0x2] =	wrdreg s4  }
0xaa: {  	[dreg:$0x3] =	wrdreg s6  }
0xab: {  	[dreg:$0x4] =	wrdreg $0xC0  }
0xac: {  	_ =	task [dreg:s8], $0x5FFFF  }
0xad: {  	[dreg:$0x1] =	wrdreg $0xFFFFFFFF  }
0xae: {  	[dreg:$0x0] =	wrdreg $0x60  }
0xaf: {  	[dreg:$0x2] =	wrdreg s2  }
0xb0: {  	[dreg:$0x3] =	wrdreg s24  }
0xb1: {  	[dreg:$0x4] =	wrdreg s18  }
0xb2: {  	[dreg:$0x5] =	wrdreg $0x9  }
0xb3: {  	_ =	task.clear_ibuf [dreg:s8], $0x6FFFF;
	_ =	strace $0x90000046  }
0xb4: {  	s29 =	simm.s32 $0x9;
	_ =	strace $0x80000048  }
0xb5: {  	_ =	swait.ge [sflag:s29], $0x1  }
0xb6: {  	[sflag:s29] =	ssyncadd.s32 $0xFFFFFFFF  }
0xb7: {  	_ =	strace $0x90000048  }
0xb8: {  	_ =	sfence  }
0xb9: {  	s30 =	sld [smem:$0x0];
	_ =	sdelay $0x2  }
0xba: {  	s31 =	sshll.u32 s1, $0xD;
	s1 =	sshrl.u32 s1, $0x2  }
0xbb: {  	s3 =	sand.u32 $0x4000, s31;
	s1 =	sadd.s32 s1, s30  }
0xbc: {  	s0 =	sor.u32 s3, s0;
	s1 =	sshll.u32 s1, $0x11  }
0xbd: {  	s0 =	sor.u32 s1, s0  }
0xbe: {  	s0 =	sadd.s32 $0x8F2B, s0  }
0xbf: {  	[sflag:s0] =	ssyncadd.remote.s32 $0x1  }
0xc0: {  	_ =	sfence.sel $0xFFFF  }
0xc1: {  	[dreg:$0x0] =	wrdreg $0xFFFFFFFF;
	(pc) =	sbr.abs _section_cstart, $3  }
0xc2: {  	[dreg:$0x1] =	wrdreg $0xFFFFFFFF  }
0xc3: {  	_ =	task.clear_ibuf [dreg:s8], $0x2FFFF;
	_ =	strace $0x9FFFFFFF  }
0xc4: {  	(tm) =	ssettm $0x7FFFFFFF  }
0xc5: {  	_ =	shalt  }
tec
execute0_lowered:
.L_overlay_start_1:
0x0: {  	(tag) =	ssettag $0x1  }
0x1: {  	s8 =	rddreg [dreg:$0x0]  }
0x2: {  	s0 =	rddreg [dreg:$0x1]  }
0x3: {  	s28 =	rddreg [dreg:$0x2];
	s1 =	srdreg.scid  }
0x4: {  	s4 =	simm.s32 $0x0;
	s7 =	stileid.u32;
	s1 =	sand.u32 $0x1, s1  }
0x5: {  	[smem:$0x7FF] =	sst s4;
	s3 =	sshll.u32 s7, $0x1;
	s6 =	sadd.s32 $0x200, s0  }
0x6: {  	s9 =	sadd.s32 $0x680, s0;
	s10 =	sadd.s32 $0x700, s0;
	s11 =	sadd.s32 $0x780, s0  }
0x7: {  	s12 =	sadd.s32 $0x800, s0;
	s13 =	sadd.s32 $0x880, s0;
	s14 =	sadd.s32 $0x900, s0  }
0x8: {  	s15 =	sadd.s32 $0x980, s0;
	s16 =	sadd.s32 $0xA00, s0;
	s31 =	smul.u32 $0x140000, s7  }
0x9: {  	s17 =	sadd.s32 $0xA80, s0;
	s18 =	sadd.s32 $0xB00, s0;
	s19 =	sadd.s32 $0xB80, s0  }
0xa: {  	s20 =	sadd.s32 $0xC00, s0;
	s21 =	sadd.s32 $0xC80, s0;
	s23 =	sadd.s32 $0xD00, s0  }
0xb: {  	s7 =	sadd.s32 $0x100, s8;
	_ =	strace $0x80000047;
	[dreg:$0x4] =	wrdreg s6  }
0xc: {  	s24 =	sadd.s32 $0xD80, s0;
	s22 =	sadd.s32 $0x200, s8;
	[dreg:$0x8] =	wrdreg s7  }
0xd: {  	s25 =	sadd.s32 $0x300, s8;
	s26 =	sadd.s32 $0x400, s8;
	[dreg:$0x9] =	wrdreg s22  }
0xe: {  	s29 =	sadd.s32 $0x500, s8;
	s30 =	sadd.s32 $0x600, s8;
	[dreg:$0xa] =	wrdreg s25  }
0xf: {  	s2 =	ssub.s32 $0x2, s1;
	s3 =	sor.u32 s1, s3;
	[dreg:$0xb] =	wrdreg s26  }
0x10: {  	s6 =	sadd.s32 $0x600, s0;
	s1 =	smul.u32 $0xA0000, s1;
	[dreg:$0xc] =	wrdreg s29  }
0x11: {  	[dreg:$0xd] =	wrdreg s30;
	s22 =	simm.s32 $0x2000;
	s5 =	sshrl.u32 s2, $0x1  }
.Ltmp0:
0x12: {  	s2 =	ssub.s32 s2, s5;
	s1 =	sadd.s32 s1, s31;
	(pc) =	sbr.rel .LBB2_1-.Ltmp0, $4  }
0x13: {  	s5 =	smul.u32 $0x140, s3;
	s31 =	sadd.s32 $0x700, s8;
	[dreg:$0x7] =	wrdreg s1  }
0x14: {  	s3 =	smul.u32 $0xA0000, s3;
	s2 =	smax.u32 s2, $0x1;
	[dreg:$0xe] =	wrdreg s31  }
0x15: {  	s7 =	simm.s32 $0x2;
	s25 =	simm.s32 $0x0;
	[dreg:$0x6] =	wrdreg s2  }
0x16: {  	v1 =	vlaneseq.u32;
	s8 =	simm.s32 $0x12200;
	s2 =	simm.s32 $0x3;
	v0 =	vmov s5;
	[dreg:$0x5] =	wrdreg s3  }
.LBB2_28:
0x17: {  	[sflag:s7] =	ssyncadd.s32 $0xFFFF8000  }
.LBB2_29:
0x18: {  	s25 =	sadd.s32 $0x1, s25;
	s0 =	rddreg [dreg:$0x6]  }
0x19: {  	p0 =	sne.s32 s25, s0  }
.Ltmp1:
0x1a: {  	_ = 	snop;
	(pc) =	sbr.rel @!p0 .LBB2_30-.Ltmp1, $1  }
0x1b: {  	_ =	sdelay $0x3  }
.LBB2_1:
0x1c: {  	[dreg:$0xf] =	wrdreg s25  }
0x1d: {  	s0 =	rddreg [dreg:$0x4]  }
0x1e: {  	[tilespmem:s4], [sflag:$0x3] =	stream.linear.gather [hbm4b:s0+s4], $0x2000, $0x38;
	[tilespmem:$0x1A200] =	vst v63  }
0x1f: {  	_ =	swait.ge [sflag:s2], $0x2000  }
0x20: {  	[sflag:s2] =	ssyncset.done $0x0  }
0x21: {  	[sflag:s2] =	ssyncadd.s32 $0xFFFFE000  }
0x22: {  	[tilespmem:s8], [sflag:$0x3] =	stream.linear.gather [hbm4b:s6+s4], $0x8000, $0x38;
	[tilespmem:$0x1A200] =	vst v63  }
0x23: {  	_ =	swait.ge [sflag:s2], $0x8000  }
0x24: {  	[sflag:s2] =	ssyncset.done $0x0  }
0x25: {  	v2 =	vimm.s32 $0x0;
	[sflag:s2] =	ssyncadd.s32 $0xFFFF8000  }
0x26: {  	[tilespmem:$0x2000] =	vst v2  }
0x27: {  	[tilespmem:$0x2010] =	vst v2  }
0x28: {  	[tilespmem:$0x2020] =	vst v2  }
0x29: {  	[tilespmem:$0x2030] =	vst v2  }
0x2a: {  	[tilespmem:$0x2040] =	vst v2  }
0x2b: {  	[tilespmem:$0x2050] =	vst v2  }
0x2c: {  	[tilespmem:$0x2060] =	vst v2  }
0x2d: {  	[tilespmem:$0x2070] =	vst v2  }
0x2e: {  	[tilespmem:$0x2080] =	vst v2  }
0x2f: {  	[tilespmem:$0x2090] =	vst v2  }
0x30: {  	[tilespmem:$0x20A0] =	vst v2  }
0x31: {  	[tilespmem:$0x20B0] =	vst v2  }
0x32: {  	[tilespmem:$0x20C0] =	vst v2  }
0x33: {  	[tilespmem:$0x20D0] =	vst v2  }
0x34: {  	[tilespmem:$0x20E0] =	vst v2  }
0x35: {  	[tilespmem:$0x20F0] =	vst v2  }
0x36: {  	[tilespmem:$0x2100] =	vst v2  }
0x37: {  	[tilespmem:$0x2110] =	vst v2  }
0x38: {  	[tilespmem:$0x2120] =	vst v2  }
0x39: {  	s1 =	simm.s32 $0x80;
	s0 =	simm.s32 $0xF0;
	[tilespmem:$0x2130] =	vst v2  }
.LBB2_2:
0x3a: {  	v3 =	vld [tilespmem:s1+$0xFFFFFF80];
	_ =	sdelay $0x4  }
0x3b: {  	v3 =	vsub.s32 v3, v0  }
0x3c: {  	vm0 =	vlt.u32 v3, $0x140;
	_ =	sdelay $0x3  }
0x3d: {  	s3 =	sadd.s32 $0xFFFFFF10, s0  }
0x3e: {  	v4 =	vor.u32 s3, v1  }
0x3f: {  	[tilespmem:v3+s22+$0x0] =	vst.idx.msk vm0, v4  }
0x40: {  	v3 =	vld [tilespmem:s1+$0xFFFFFF90];
	_ =	sdelay $0x4  }
0x41: {  	v3 =	vsub.s32 v3, v0  }
0x42: {  	vm1 =	vlt.u32 v3, $0x140;
	_ =	sdelay $0x3  }
0x43: {  	s5 =	sadd.s32 $0xFFFFFF20, s0  }
0x44: {  	v37 =	vor.u32 s5, v1  }
0x45: {  	[tilespmem:v3+s22+$0x0] =	vst.idx.msk vm1, v37  }
0x46: {  	v3 =	vld [tilespmem:s1+$0xFFFFFFA0];
	_ =	sdelay $0x4  }
0x47: {  	v3 =	vsub.s32 v3, v0  }
0x48: {  	vm2 =	vlt.u32 v3, $0x140;
	_ =	sdelay $0x3  }
0x49: {  	s8 =	sadd.s32 $0xFFFFFF30, s0  }
0x4a: {  	v38 =	vor.u32 s8, v1  }
0x4b: {  	[tilespmem:v3+s22+$0x0] =	vst.idx.msk vm2, v38  }
0x4c: {  	v3 =	vld [tilespmem:s1+$0xFFFFFFB0];
	_ =	sdelay $0x4  }
0x4d: {  	v3 =	vsub.s32 v3, v0  }
0x4e: {  	vm3 =	vlt.u32 v3, $0x140;
	_ =	sdelay $0x3  }
0x4f: {  	s25 =	sadd.s32 $0xFFFFFF40, s0  }
0x50: {  	v39 =	vor.u32 s25, v1  }
0x51: {  	[tilespmem:v3+s22+$0x0] =	vst.idx.msk vm3, v39  }
0x52: {  	v3 =	vld [tilespmem:s1+$0xFFFFFFC0];
	_ =	sdelay $0x4  }
0x53: {  	v3 =	vsub.s32 v3, v0  }
0x54: {  	vm4 =	vlt.u32 v3, $0x140;
	_ =	sdelay $0x3  }
0x55: {  	s26 =	sadd.s32 $0xFFFFFF50, s0  }
0x56: {  	v40 =	vor.u32 s26, v1  }
0x57: {  	[tilespmem:v3+s22+$0x0] =	vst.idx.msk vm4, v40  }
0x58: {  	v3 =	vld [tilespmem:s1+$0xFFFFFFD0];
	_ =	sdelay $0x4  }
0x59: {  	v3 =	vsub.s32 v3, v0  }
0x5a: {  	vm5 =	vlt.u32 v3, $0x140;
	_ =	sdelay $0x3  }
0x5b: {  	s29 =	sadd.s32 $0xFFFFFF60, s0  }
0x5c: {  	v41 =	vor.u32 s29, v1  }
0x5d: {  	[tilespmem:v3+s22+$0x0] =	vst.idx.msk vm5, v41  }
0x5e: {  	v3 =	vld [tilespmem:s1+$0xFFFFFFE0];
	_ =	sdelay $0x4  }
0x5f: {  	v3 =	vsub.s32 v3, v0  }
0x60: {  	vm6 =	vlt.u32 v3, $0x140;
	_ =	sdelay $0x3  }
0x61: {  	s30 =	sadd.s32 $0xFFFFFF70, s0  }
0x62: {  	v42 =	vor.u32 s30, v1  }
0x63: {  	[tilespmem:v3+s22+$0x0] =	vst.idx.msk vm6, v42  }
0x64: {  	v3 =	vld [tilespmem:s1+$0xFFFFFFF0];
	_ =	sdelay $0x4  }
0x65: {  	v3 =	vsub.s32 v3, v0  }
0x66: {  	vm7 =	vlt.u32 v3, $0x140;
	_ =	sdelay $0x3  }
0x67: {  	s31 =	sadd.s32 $0xFFFFFF80, s0  }
0x68: {  	v43 =	vor.u32 s31, v1  }
0x69: {  	[tilespmem:v3+s22+$0x0] =	vst.idx.msk vm7, v43  }
0x6a: {  	v3 =	vld [tilespmem:s1+$0x0];
	_ =	sdelay $0x4  }
0x6b: {  	v3 =	vsub.s32 v3, v0  }
0x6c: {  	vm8 =	vlt.u32 v3, $0x140;
	_ =	sdelay $0x3  }
0x6d: {  	s5 =	sadd.s32 $0xFFFFFF90, s0  }
0x6e: {  	v44 =	vor.u32 s5, v1  }
0x6f: {  	[tilespmem:v3+s22+$0x0] =	vst.idx.msk vm8, v44  }
0x70: {  	v3 =	vld [tilespmem:s1+$0x10];
	_ =	sdelay $0x4  }
0x71: {  	v3 =	vsub.s32 v3, v0  }
0x72: {  	vm9 =	vlt.u32 v3, $0x140;
	_ =	sdelay $0x3  }
0x73: {  	s8 =	sadd.s32 $0xFFFFFFA0, s0  }
0x74: {  	v45 =	vor.u32 s8, v1  }
0x75: {  	[tilespmem:v3+s22+$0x0] =	vst.idx.msk vm9, v45  }
0x76: {  	v3 =	vld [tilespmem:s1+$0x20];
	_ =	sdelay $0x4  }
0x77: {  	v3 =	vsub.s32 v3, v0  }
0x78: {  	vm10 =	vlt.u32 v3, $0x140;
	_ =	sdelay $0x3  }
0x79: {  	s25 =	sadd.s32 $0xFFFFFFB0, s0  }
0x7a: {  	v46 =	vor.u32 s25, v1  }
0x7b: {  	[tilespmem:v3+s22+$0x0] =	vst.idx.msk vm10, v46  }
0x7c: {  	v3 =	vld [tilespmem:s1+$0x30];
	_ =	sdelay $0x4  }
0x7d: {  	v3 =	vsub.s32 v3, v0  }
0x7e: {  	vm11 =	vlt.u32 v3, $0x140;
	_ =	sdelay $0x3  }
0x7f: {  	s26 =	sadd.s32 $0xFFFFFFC0, s0  }
0x80: {  	v47 =	vor.u32 s26, v1  }
0x81: {  	[tilespmem:v3+s22+$0x0] =	vst.idx.msk vm11, v47  }
0x82: {  	v3 =	vld [tilespmem:s1+$0x40];
	_ =	sdelay $0x4  }
0x83: {  	v3 =	vsub.s32 v3, v0  }
0x84: {  	vm12 =	vlt.u32 v3, $0x140;
	_ =	sdelay $0x3  }
0x85: {  	s29 =	sadd.s32 $0xFFFFFFD0, s0  }
0x86: {  	v48 =	vor.u32 s29, v1  }
0x87: {  	[tilespmem:v3+s22+$0x0] =	vst.idx.msk vm12, v48  }
0x88: {  	v3 =	vld [tilespmem:s1+$0x50];
	_ =	sdelay $0x4  }
0x89: {  	v3 =	vsub.s32 v3, v0  }
0x8a: {  	vm13 =	vlt.u32 v3, $0x140;
	_ =	sdelay $0x3  }
0x8b: {  	s30 =	sadd.s32 $0xFFFFFFE0, s0  }
0x8c: {  	v49 =	vor.u32 s30, v1  }
0x8d: {  	[tilespmem:v3+s22+$0x0] =	vst.idx.msk vm13, v49  }
0x8e: {  	v3 =	vld [tilespmem:s1+$0x60];
	_ =	sdelay $0x4  }
0x8f: {  	v3 =	vsub.s32 v3, v0  }
0x90: {  	vm14 =	vlt.u32 v3, $0x140;
	_ =	sdelay $0x1  }
0x91: {  	v50 =	vmpcnt.ones.xlane vm0  }
0x92: {  	v5 =	vmpcnt.ones.xlane vm1  }
0x93: {  	s31 =	sadd.s32 $0xFFFFFFF0, s0;
	v2 =	vadd.s32 v2, v50;
	v6 =	vmpcnt.ones.xlane vm2  }
0x94: {  	v52 =	vor.u32 s31, v1;
	v2 =	vadd.s32 v5, v2;
	v51 =	vmpcnt.ones.xlane vm3  }
0x95: {  	v2 =	vadd.s32 v6, v2;
	v7 =	vmpcnt.ones.xlane vm4;
	[tilespmem:v3+s22+$0x0] =	vst.idx.msk vm14, v52  }
0x96: {  	v2 =	vadd.s32 v51, v2;
	v3 =	vmpcnt.ones.xlane vm5;
	v53 =	vld [tilespmem:s1+$0x70]  }
0x97: {  	v2 =	vadd.s32 v7, v2;
	v54 =	vmpcnt.ones.xlane vm6  }
0x98: {  	v55 =	vmpcnt.ones.xlane vm7;
	v2 =	vadd.s32 v3, v2  }
0x99: {  	v3 =	vmpcnt.ones.xlane vm8;
	v2 =	vadd.s32 v54, v2  }
0x9a: {  	v56 =	vmpcnt.ones.xlane vm9;
	v2 =	vadd.s32 v55, v2  }
0x9b: {  	v57 =	vmpcnt.ones.xlane vm10;
	v2 =	vadd.s32 v3, v2;
	v3 =	vsub.s32 v53, v0  }
0x9c: {  	v58 =	vmpcnt.ones.xlane vm11;
	v2 =	vadd.s32 v56, v2;
	vm15 =	vlt.u32 v3, $0x140  }
0x9d: {  	p0 =	sne.s32 s0, $0x1FF0;
	v59 =	vmpcnt.ones.xlane vm12;
	v2 =	vadd.s32 v57, v2  }
.Ltmp2:
0x9e: {  	v60 =	vmpcnt.ones.xlane vm13;
	v2 =	vadd.s32 v58, v2;
	(pc) =	sbr.rel @p0 .LBB2_2-.Ltmp2, $4  }
0x9f: {  	v61 =	vmpcnt.ones.xlane vm14;
	v2 =	vadd.s32 v59, v2  }
0xa0: {  	v62 =	vmpcnt.ones.xlane vm15;
	v2 =	vadd.s32 v60, v2  }
0xa1: {  	v63 =	vor.u32 s0, v1;
	v2 =	vadd.s32 v61, v2  }
0xa2: {  	s0 =	sadd.s32 $0x100, s0;
	s1 =	sadd.s32 $0x100, s1;
	v2 =	vadd.s32 v62, v2;
	[tilespmem:v3+s22+$0x0] =	vst.idx.msk vm15, v63  }
0xa3: {  	v2 =	vxor.u32 $0x80000000, v2  }
0xa4: {  	(xrf0) =	vmax.scan.msk.u32 $0xffff, v2;
	_ =	sdelay $0x5  }
0xa5: {  	v2, _, _ =	vpop (xrf0)  }
0xa6: {  	(v2sf) =	vpush v2, $0xF;
	_ =	sdelay $0xe  }
0xa7: {  	s0 =	spop (v2sf)  }
0xa8: {  	s1 =	sadd.s32 $0x8000000F, s0  }
0xa9: {  	s3 =	sand.u32 $0xF, s1  }
0xaa: {  	s5 =	sshra.s32 s1, $0x1F;
	p0 =	slt.s32 s1, $0x1;
	p1 =	sne.s32 s3, $0x0  }
0xab: {  	s25 =	sshrl.u32 s5, $0x1C;
	p0 =	por !p0, !p1  }
0xac: {  	s3 =	simm.s32 $0x1;
	s1 =	sadd.s32 s25, s1;
	p0 =	por !p0, !p0  }
0xad: {  	s1 =	sshra.s32 s1, $0x4;
	s3 =	simm.s32 @!p0 $0x0  }
0xae: {  	s1 =	ssub.s32 s1, s3  }
0xaf: {  	p0 =	slt.s32 s1, $0x1  }
0xb0: {  	v2 =	vld @!p0 [tilespmem:$0x2000];
	_ =	sdelay $0x4  }
0xb1: {  	v3 =	vshll.u32 @!p0 v2, $0x4  }
0xb2: {  	v4 =	vlaneseq.u32 @!p0;
	v2 =	vand.u32 @!p0 $0x7, v2;
	v3 =	vand.u32 @!p0 $0xFFFFFF80, v3  }
0xb3: {  	v5 =	vshrl.u32 @!p0 v4, $0x3;
	v2 =	vor.u32 @!p0 v2, v3;
	v3 =	vand.u32 @!p0 $0x7, v4  }
0xb4: {  	v5 =	vmul.u32 @!p0 $0x8, v5;
	v3 =	vperm.xlane @!p0 v2, v3;
	_ =	sdelay $0x1  }
0xb5: {  	v3 =	vadd.s32 @!p0 v5, v3;
	_ =	sdelay $0x2  }
0xb6: {  	s31 =	rddreg [dreg:$0x0]  }
0xb7: {  	[dreg:$0x10] =	wrdreg s1;
	vm0 =	vmmov @!p0 $0xffff;
	s1 =	simm.s32 @!p0 $0x0;
	s3 =	simm.s32 @!p0 $0x2200  }
0xb8: {  	[tilespmem:s3], [sflag:$0x1] =	stream.indirect_vreg.gather @!p0 [hbm4b:s31+s1], $0x80, v3, vm0, $0xb8;
	[tilespmem:$0x1A200] =	vst v63  }
0xb9: {  	s5 =	rddreg [dreg:$0x8];
	s3 =	simm.s32 @!p0 $0x2A00  }
0xba: {  	[tilespmem:s3], [sflag:$0x1] =	stream.indirect_vreg.gather @!p0 [hbm4b:s5+s1], $0x80, v3, vm0, $0xb8;
	[tilespmem:$0x1A200] =	vst v63  }
0xbb: {  	s25 =	rddreg [dreg:$0x9];
	s3 =	simm.s32 @!p0 $0x3200  }
0xbc: {  	[tilespmem:s3], [sflag:$0x1] =	stream.indirect_vreg.gather @!p0 [hbm4b:s25+s1], $0x80, v3, vm0, $0xb8;
	[tilespmem:$0x1A200] =	vst v63  }
0xbd: {  	s26 =	rddreg [dreg:$0xa];
	s3 =	simm.s32 @!p0 $0x3A00  }
0xbe: {  	[tilespmem:s3], [sflag:$0x1] =	stream.indirect_vreg.gather @!p0 [hbm4b:s26+s1], $0x80, v3, vm0, $0xb8;
	[tilespmem:$0x1A200] =	vst v63  }
0xbf: {  	s22 =	rddreg [dreg:$0xb];
	s3 =	simm.s32 @!p0 $0x4200  }
0xc0: {  	v4 =	vor.u32 @!p0 $0x8, v4;
	[tilespmem:s3], [sflag:$0x1] =	stream.indirect_vreg.gather @!p0 [hbm4b:s22+s1], $0x80, v3, vm0, $0xb8;
	[tilespmem:$0x1A200] =	vst v63  }
0xc1: {  	s8 =	rddreg [dreg:$0xc];
	v2 =	vperm.xlane @!p0 v2, v4;
	s3 =	simm.s32 @!p0 $0x4A00  }
0xc2: {  	[tilespmem:s3], [sflag:$0x1] =	stream.indirect_vreg.gather @!p0 [hbm4b:s8+s1], $0x80, v3, vm0, $0xb8;
	[tilespmem:$0x1A200] =	vst v63  }
0xc3: {  	s29 =	rddreg [dreg:$0xd];
	v2 =	vadd.s32 @!p0 v5, v2;
	s3 =	simm.s32 @!p0 $0x5200  }
0xc4: {  	[tilespmem:s3], [sflag:$0x1] =	stream.indirect_vreg.gather @!p0 [hbm4b:s29+s1], $0x80, v3, vm0, $0xb8;
	[tilespmem:$0x1A200] =	vst v63  }
0xc5: {  	s30 =	rddreg [dreg:$0xe];
	s3 =	simm.s32 @!p0 $0x5A00  }
0xc6: {  	[tilespmem:s3], [sflag:$0x1] =	stream.indirect_vreg.gather @!p0 [hbm4b:s30+s1], $0x80, v3, vm0, $0xb8;
	[tilespmem:$0x1A200] =	vst v63  }
0xc7: {  	s3 =	simm.s32 @!p0 $0x6200  }
0xc8: {  	[tilespmem:s3], [sflag:$0x1] =	stream.indirect_vreg.gather @!p0 [hbm4b:s31+s1], $0x80, v2, vm0, $0xb8;
	[tilespmem:$0x1A200] =	vst v63  }
0xc9: {  	s3 =	simm.s32 @!p0 $0x6A00  }
0xca: {  	[tilespmem:s3], [sflag:$0x1] =	stream.indirect_vreg.gather @!p0 [hbm4b:s5+s1], $0x80, v2, vm0, $0xb8;
	[tilespmem:$0x1A200] =	vst v63  }
0xcb: {  	s3 =	simm.s32 @!p0 $0x7200  }
0xcc: {  	[tilespmem:s3], [sflag:$0x1] =	stream.indirect_vreg.gather @!p0 [hbm4b:s25+s1], $0x80, v2, vm0, $0xb8;
	[tilespmem:$0x1A200] =	vst v63  }
0xcd: {  	s3 =	simm.s32 @!p0 $0x7A00  }
0xce: {  	[tilespmem:s3], [sflag:$0x1] =	stream.indirect_vreg.gather @!p0 [hbm4b:s26+s1], $0x80, v2, vm0, $0xb8;
	[tilespmem:$0x1A200] =	vst v63  }
0xcf: {  	s31 =	ssub.s32 $0x80000020, s0;
	s3 =	simm.s32 @!p0 $0x8200  }
0xd0: {  	[tilespmem:s3], [sflag:$0x1] =	stream.indirect_vreg.gather @!p0 [hbm4b:s22+s1], $0x80, v2, vm0, $0xb8;
	[tilespmem:$0x1A200] =	vst v63  }
0xd1: {  	s5 =	rddreg [dreg:$0x10];
	s26 =	sxor.u32 $0x80000000, s0;
	s3 =	simm.s32 @!p0 $0x8A00  }
0xd2: {  	[tilespmem:s3], [sflag:$0x1] =	stream.indirect_vreg.gather @!p0 [hbm4b:s8+s1], $0x80, v2, vm0, $0xb8;
	[tilespmem:$0x1A200] =	vst v63  }
0xd3: {  	s25 =	ssub.s32 $0x80000010, s0;
	[dreg:$0x11] =	wrdreg s26;
	s3 =	simm.s32 @!p0 $0x9200  }
0xd4: {  	[tilespmem:s3], [sflag:$0x1] =	stream.indirect_vreg.gather @!p0 [hbm4b:s29+s1], $0x80, v2, vm0, $0xb8;
	[tilespmem:$0x1A200] =	vst v63  }
.Ltmp3:
0xd5: {  	s26 =	sshll.u32 s0, $0xB;
	s22 =	sshll.u32 s0, $0x7;
	(pc) =	sbr.rel .LBB2_4-.Ltmp3, $4  }
0xd6: {  	[dreg:$0x15] =	wrdreg s22;
	s8 =	sadd.s32 $0xFFFFFFFE, s5;
	s3 =	simm.s32 @!p0 $0x9A00  }
0xd7: {  	[tilespmem:s3], [sflag:$0x1] =	stream.indirect_vreg.gather @!p0 [hbm4b:s30+s1], $0x80, v2, vm0, $0xb8;
	[tilespmem:$0x1A200] =	vst v63  }
0xd8: {  	[dreg:$0x13] =	wrdreg s8;
	s29 =	sadd.s32 $0xFFFFF800, s22;
	s3 =	sadd.s32 $0xFFFFFFFF, s5  }
0xd9: {  	s30 =	sadd.s32 $0xFFFF8000, s26;
	[dreg:$0x12] =	wrdreg s3;
	s3 =	simm.s32 $0x0  }
.LBB2_17:
0xda: {  	s28 =	rddreg [dreg:$0x2]  }
0xdb: {  	s3 =	rddreg [dreg:$0x1b]  }
.LBB2_20:
0xdc: {  	s0 =	sor.u32 s5, s22  }
0xdd: {  	[sflag:s2] =	ssyncadd.s32 @p1 $0xFFFFF800;
	s1 =	sadd.s32 $0xA200, s0  }
0xde: {  	[tilespmem:s1], [sflag:$0x3] =	stream.linear.gather [hbm4b:s6+s4], $0x80, $0x38;
	[tilespmem:$0x1A200] =	vst v63  }
0xdf: {  	s8 =	sadd.s32 $0xA600, s0  }
0xe0: {  	[tilespmem:s8], [sflag:$0x3] =	stream.linear.gather [hbm4b:s9+s4], $0x80, $0x38;
	[tilespmem:$0x1A200] =	vst v63  }
0xe1: {  	s22 =	sadd.s32 $0xAA00, s0  }
0xe2: {  	[tilespmem:s22], [sflag:$0x3] =	stream.linear.gather [hbm4b:s10+s4], $0x80, $0x38;
	[tilespmem:$0x1A200] =	vst v63  }
0xe3: {  	s25 =	sadd.s32 $0xAE00, s0  }
0xe4: {  	[tilespmem:s25], [sflag:$0x3] =	stream.linear.gather [hbm4b:s11+s4], $0x80, $0x38;
	[tilespmem:$0x1A200] =	vst v63  }
0xe5: {  	s26 =	sadd.s32 $0xB200, s0  }
0xe6: {  	[tilespmem:s26], [sflag:$0x3] =	stream.linear.gather [hbm4b:s12+s4], $0x80, $0x38;
	[tilespmem:$0x1A200] =	vst v63  }
0xe7: {  	s5 =	sadd.s32 $0xB600, s0  }
0xe8: {  	[tilespmem:s5], [sflag:$0x3] =	stream.linear.gather [hbm4b:s13+s4], $0x80, $0x38;
	[tilespmem:$0x1A200] =	vst v63  }
0xe9: {  	s8 =	sadd.s32 $0xBA00, s0  }
0xea: {  	[tilespmem:s8], [sflag:$0x3] =	stream.linear.gather [hbm4b:s14+s4], $0x80, $0x38;
	[tilespmem:$0x1A200] =	vst v63  }
0xeb: {  	s22 =	sadd.s32 $0xBE00, s0  }
0xec: {  	[tilespmem:s22], [sflag:$0x3] =	stream.linear.gather [hbm4b:s15+s4], $0x80, $0x38;
	[tilespmem:$0x1A200] =	vst v63  }
0xed: {  	s25 =	sadd.s32 $0xC200, s0  }
0xee: {  	[tilespmem:s25], [sflag:$0x3] =	stream.linear.gather [hbm4b:s16+s4], $0x80, $0x38;
	[tilespmem:$0x1A200] =	vst v63  }
0xef: {  	s26 =	sadd.s32 $0xC600, s0  }
0xf0: {  	[tilespmem:s26], [sflag:$0x3] =	stream.linear.gather [hbm4b:s17+s4], $0x80, $0x38;
	[tilespmem:$0x1A200] =	vst v63  }
0xf1: {  	s5 =	sadd.s32 $0xCA00, s0  }
0xf2: {  	[tilespmem:s5], [sflag:$0x3] =	stream.linear.gather [hbm4b:s18+s4], $0x80, $0x38;
	[tilespmem:$0x1A200] =	vst v63  }
0xf3: {  	s8 =	sadd.s32 $0xCE00, s0  }
0xf4: {  	[tilespmem:s8], [sflag:$0x3] =	stream.linear.gather [hbm4b:s19+s4], $0x80, $0x38;
	[tilespmem:$0x1A200] =	vst v63  }
0xf5: {  	s22 =	sadd.s32 $0xD200, s0  }
0xf6: {  	[tilespmem:s22], [sflag:$0x3] =	stream.linear.gather [hbm4b:s20+s4], $0x80, $0x38;
	[tilespmem:$0x1A200] =	vst v63  }
0xf7: {  	s25 =	sadd.s32 $0xD600, s0  }
0xf8: {  	[tilespmem:s25], [sflag:$0x3] =	stream.linear.gather [hbm4b:s21+s4], $0x80, $0x38;
	[tilespmem:$0x1A200] =	vst v63  }
0xf9: {  	s26 =	sadd.s32 $0xDA00, s0  }
0xfa: {  	[tilespmem:s26], [sflag:$0x3] =	stream.linear.gather [hbm4b:s23+s4], $0x80, $0x38;
	[tilespmem:$0x1A200] =	vst v63  }
0xfb: {  	s0 =	sadd.s32 $0xDE00, s0  }
0xfc: {  	[tilespmem:s0], [sflag:$0x3] =	stream.linear.gather [hbm4b:s24+s4], $0x80, $0x38;
	[tilespmem:$0x1A200] =	vst v63  }
0xfd: {  	_ =	swait.ge [sflag:s2], $0x800  }
0xfe: {  	[sflag:s2] =	ssyncset.done $0x0  }
0xff: {  	[sflag:s2] =	ssyncadd.s32 $0xFFFFF800  }
.LBB2_21:
0x100: {  	s0 =	sshll.u32 s3, $0xF;
	s1 =	rddreg [dreg:$0x5]  }
0x101: {  	s5 =	rddreg [dreg:$0x10];
	s0 =	sadd.s32 s1, s0  }
0x102: {  	s25 =	rddreg [dreg:$0x14];
	s0 =	sshrl.u32 s0, $0x3  }
0x103: {  	s26 =	simm.s32 $0xA200;
	s3 =	rddreg [dreg:$0x1a];
	s0 =	sadd.s32 s28, s0  }
0x104: {  	[hbm4b:s0+s4] =	stream.linear.scatter [tilespmem:s26], [sflag:$0x2], $0x8000, $0x38;
	[tilespmem:$0x1A200] =	vst v63  }
0x105: {  	s26 =	rddreg [dreg:$0x16]  }
.LBB2_22:
0x106: {  	s3 =	sadd.s32 $0x1, s3  }
0x107: {  	p1 =	sne.s32 s3, $0xA  }
.Ltmp4:
0x108: {  	_ = 	snop;
	(pc) =	sbr.rel @!p1 .LBB2_23-.Ltmp4, $4  }
0x109: {  	_ = 	snop  }
0x10a: {  	s25 =	sadd.s32 $0x20, s25;
	s0 =	rddreg [dreg:$0x15]  }
0x10b: {  	s26 =	sadd.s32 $0xFFFF0000, s26;
	s31 =	sadd.s32 $0x20, s31;
	s0 =	sadd.s32 $0xFFFFF000, s0  }
0x10c: {  	s29 =	sadd.s32 $0xFFFFF000, s29;
	s30 =	sadd.s32 $0xFFFF0000, s30;
	[dreg:$0x15] =	wrdreg s0  }
.LBB2_4:
0x10d: {  	s22 =	sshll.u32 s3, $0x1  }
0x10e: {  	[dreg:$0x14] =	wrdreg s25;
	p1 =	sge.s32 s22, s5  }
.Ltmp5:
0x10f: {  	[dreg:$0x18] =	wrdreg s29;
	(pc) =	sbr.rel @p1 .LBB2_13-.Ltmp5, $4  }
0x110: {  	[dreg:$0x19] =	wrdreg s30  }
0x111: {  	s8 =	sshllo.u32 s3, $0x1;
	[dreg:$0x1a] =	wrdreg s3  }
0x112: {  	[dreg:$0x1b] =	wrdreg s8  }
0x113: {  	[dreg:$0x1c] =	wrdreg s22  }
0x114: {  	[dreg:$0x17] =	wrdreg s31;
	s0 =	simm.s32 $0x1  }
0x115: {  	_ =	swait.ge [sflag:s0], $0x8000  }
0x116: {  	p2 =	seq.s32 s3, $0x0;
	[sflag:s0] =	ssyncset.done $0x0  }
0x117: {  	[sflag:s0] =	ssyncadd.s32 $0xFFFF8000;
	s0 =	simm.s32 @!p2 $0x2  }
0x118: {  	p1 =	sge.u32 s8, s5;
	_ =	swait.ge @!p2 [sflag:s0], $0x8000  }
0x119: {  	s1 =	sshll.u32 @!p1 s8, $0x4;
	[sflag:s0] =	ssyncset.done @!p2 $0x0  }
0x11a: {  	[sflag:s0] =	ssyncadd.s32 @!p2 $0xFFFF8000;
	s0 =	sand.u32 @!p1 $0x3FFFFFF0, s1  }
0x11b: {  	v2 =	vld @!p1 [tilespmem:s0+$0x2000];
	_ =	sdelay $0x4  }
0x11c: {  	v3 =	vshll.u32 @!p1 v2, $0x4  }
0x11d: {  	v4 =	vlaneseq.u32 @!p1;
	v2 =	vand.u32 @!p1 $0x7, v2;
	v3 =	vand.u32 @!p1 $0xFFFFFF80, v3  }
0x11e: {  	v5 =	vshrl.u32 @!p1 v4, $0x3;
	v2 =	vor.u32 @!p1 v2, v3;
	v3 =	vand.u32 @!p1 $0x7, v4  }
0x11f: {  	v5 =	vmul.u32 @!p1 $0x8, v5;
	v3 =	vperm.xlane @!p1 v2, v3;
	_ =	sdelay $0x1  }
0x120: {  	v3 =	vadd.s32 @!p1 v5, v3;
	_ =	sdelay $0x1  }
0x121: {  	s3 =	rddreg [dreg:$0x8]  }
0x122: {  	s5 =	rddreg [dreg:$0x9]  }
0x123: {  	vm0 =	vmmov @!p1 $0xffff;
	s1 =	simm.s32 @!p1 $0xA200;
	s0 =	simm.s32 @!p1 $0x0;
	s30 =	rddreg [dreg:$0x0]  }
0x124: {  	[tilespmem:s1], [sflag:$0x1] =	stream.indirect_vreg.gather @!p1 [hbm4b:s30+s0], $0x80, v3, vm0, $0xb8;
	[tilespmem:$0x1A200] =	vst v63  }
0x125: {  	s22 =	rddreg [dreg:$0xa];
	s1 =	simm.s32 @!p1 $0xAA00  }
0x126: {  	[tilespmem:s1], [sflag:$0x1] =	stream.indirect_vreg.gather @!p1 [hbm4b:s3+s0], $0x80, v3, vm0, $0xb8;
	[tilespmem:$0x1A200] =	vst v63  }
0x127: {  	s8 =	rddreg [dreg:$0xb];
	s1 =	simm.s32 @!p1 $0xB200  }
0x128: {  	[tilespmem:s1], [sflag:$0x1] =	stream.indirect_vreg.gather @!p1 [hbm4b:s5+s0], $0x80, v3, vm0, $0xb8;
	[tilespmem:$0x1A200] =	vst v63  }
0x129: {  	s29 =	rddreg [dreg:$0x15];
	s1 =	simm.s32 @!p1 $0xBA00  }
0x12a: {  	[tilespmem:s1], [sflag:$0x1] =	stream.indirect_vreg.gather @!p1 [hbm4b:s22+s0], $0x80, v3, vm0, $0xb8;
	[tilespmem:$0x1A200] =	vst v63  }
0x12b: {  	s25 =	rddreg [dreg:$0xc];
	s1 =	simm.s32 @!p1 $0xC200  }
0x12c: {  	v4 =	vor.u32 @!p1 $0x8, v4;
	[tilespmem:s1], [sflag:$0x1] =	stream.indirect_vreg.gather @!p1 [hbm4b:s8+s0], $0x80, v3, vm0, $0xb8;
	[tilespmem:$0x1A200] =	vst v63  }
0x12d: {  	[dreg:$0x15] =	wrdreg s29;
	v2 =	vperm.xlane @!p1 v2, v4;
	s1 =	simm.s32 @!p1 $0xCA00  }
0x12e: {  	[tilespmem:s1], [sflag:$0x1] =	stream.indirect_vreg.gather @!p1 [hbm4b:s25+s0], $0x80, v3, vm0, $0xb8;
	[tilespmem:$0x1A200] =	vst v63  }
0x12f: {  	s29 =	rddreg [dreg:$0xd];
	v2 =	vadd.s32 @!p1 v5, v2;
	s1 =	simm.s32 @!p1 $0xD200  }
0x130: {  	[tilespmem:s1], [sflag:$0x1] =	stream.indirect_vreg.gather @!p1 [hbm4b:s29+s0], $0x80, v3, vm0, $0xb8;
	[tilespmem:$0x1A200] =	vst v63  }
0x131: {  	s31 =	smov.u32 s26;
	s26 =	rddreg [dreg:$0xe];
	s1 =	simm.s32 @!p1 $0xDA00  }
0x132: {  	[tilespmem:s1], [sflag:$0x1] =	stream.indirect_vreg.gather @!p1 [hbm4b:s26+s0], $0x80, v3, vm0, $0xb8;
	[tilespmem:$0x1A200] =	vst v63  }
0x133: {  	s1 =	simm.s32 @!p1 $0xE200  }
0x134: {  	[tilespmem:s1], [sflag:$0x1] =	stream.indirect_vreg.gather @!p1 [hbm4b:s30+s0], $0x80, v2, vm0, $0xb8;
	[tilespmem:$0x1A200] =	vst v63  }
0x135: {  	s1 =	simm.s32 @!p1 $0xEA00  }
0x136: {  	[tilespmem:s1], [sflag:$0x1] =	stream.indirect_vreg.gather @!p1 [hbm4b:s3+s0], $0x80, v2, vm0, $0xb8;
	[tilespmem:$0x1A200] =	vst v63  }
0x137: {  	s1 =	simm.s32 @!p1 $0xF200  }
0x138: {  	[tilespmem:s1], [sflag:$0x1] =	stream.indirect_vreg.gather @!p1 [hbm4b:s5+s0], $0x80, v2, vm0, $0xb8;
	[tilespmem:$0x1A200] =	vst v63  }
0x139: {  	s1 =	simm.s32 @!p1 $0xFA00  }
0x13a: {  	[tilespmem:s1], [sflag:$0x1] =	stream.indirect_vreg.gather @!p1 [hbm4b:s22+s0], $0x80, v2, vm0, $0xb8;
	[tilespmem:$0x1A200] =	vst v63  }
0x13b: {  	s1 =	simm.s32 @!p1 $0x10200  }
0x13c: {  	[tilespmem:s1], [sflag:$0x1] =	stream.indirect_vreg.gather @!p1 [hbm4b:s8+s0], $0x80, v2, vm0, $0xb8;
	[tilespmem:$0x1A200] =	vst v63  }
0x13d: {  	s1 =	simm.s32 @!p1 $0x10A00  }
0x13e: {  	[tilespmem:s1], [sflag:$0x1] =	stream.indirect_vreg.gather @!p1 [hbm4b:s25+s0], $0x80, v2, vm0, $0xb8;
	[tilespmem:$0x1A200] =	vst v63  }
0x13f: {  	s1 =	simm.s32 @!p1 $0x11200  }
0x140: {  	[tilespmem:s1], [sflag:$0x1] =	stream.indirect_vreg.gather @!p1 [hbm4b:s29+s0], $0x80, v2, vm0, $0xb8;
	[tilespmem:$0x1A200] =	vst v63  }
0x141: {  	s22 =	rddreg [dreg:$0x1c];
	s1 =	simm.s32 @!p1 $0x11A00  }
0x142: {  	[tilespmem:s1], [sflag:$0x1] =	stream.indirect_vreg.gather @!p1 [hbm4b:s26+s0], $0x80, v2, vm0, $0xb8;
	[tilespmem:$0x1A200] =	vst v63  }
0x143: {  	s26 =	smov.u32 s31;
	s31 =	rddreg [dreg:$0x12]  }
0x144: {  	s3 =	rddreg [dreg:$0x1a];
	p1 =	sne.s32 s22, s31  }
0x145: {  	s1 =	rddreg [dreg:$0x11];
	s0 =	sshll.u32 @!p1 s3, $0x5  }
0x146: {  	s0 =	ssub.s32 @!p1 s1, s0  }
0x147: {  	p2 =	sgt.s32 @!p1 s0, $0xF  }
0x148: {  	p1 =	por p1, p2  }
.Ltmp6:
0x149: {  	_ = 	snop;
	(pc) =	sbr.rel @p1 .LBB2_12-.Ltmp6, $2  }
0x14a: {  	_ =	sdelay $0x2  }
0x14b: {  	s25 =	rddreg [dreg:$0x14]  }
0x14c: {  	p2 =	sne.s32 s25, $0x1  }
.Ltmp7:
0x14d: {  	_ = 	snop;
	(pc) =	sbr.rel @!p2 .LBB2_11-.Ltmp7, $3  }
0x14e: {  	_ =	sdelay $0x1  }
0x14f: {  	s0 =	sadd.s32 $0xFFFFFFFF, s25;
	s1 =	rddreg [dreg:$0x15]  }
0x150: {  	p1 =	por $0x0, $0x0;
	s5 =	sand.u32 $0x380, s1;
	s1 =	sand.u32 $0xFFFFC000, s26  }
0x151: {  	s1 =	sor.u32 s5, s1  }
0x152: {  	s3 =	sadd.s32 $0x2200, s1  }
0x153: {  	[tilespmem:s3], [sflag:$0x3] =	stream.linear.gather [hbm4b:s6+s4], $0x80, $0x38;
	[tilespmem:$0x1A200] =	vst v63  }
0x154: {  	s31 =	sadd.s32 $0x2600, s1  }
0x155: {  	[tilespmem:s31], [sflag:$0x3] =	stream.linear.gather [hbm4b:s9+s4], $0x80, $0x38;
	[tilespmem:$0x1A200] =	vst v63  }
0x156: {  	s5 =	sadd.s32 $0x2A00, s1  }
0x157: {  	[tilespmem:s5], [sflag:$0x3] =	stream.linear.gather [hbm4b:s10+s4], $0x80, $0x38;
	[tilespmem:$0x1A200] =	vst v63  }
0x158: {  	s8 =	sadd.s32 $0x2E00, s1  }
0x159: {  	[tilespmem:s8], [sflag:$0x3] =	stream.linear.gather [hbm4b:s11+s4], $0x80, $0x38;
	[tilespmem:$0x1A200] =	vst v63  }
0x15a: {  	s22 =	sadd.s32 $0x3200, s1  }
0x15b: {  	[tilespmem:s22], [sflag:$0x3] =	stream.linear.gather [hbm4b:s12+s4], $0x80, $0x38;
	[tilespmem:$0x1A200] =	vst v63  }
0x15c: {  	s28 =	sadd.s32 $0x3600, s1  }
0x15d: {  	[tilespmem:s28], [sflag:$0x3] =	stream.linear.gather [hbm4b:s13+s4], $0x80, $0x38;
	[tilespmem:$0x1A200] =	vst v63  }
0x15e: {  	s29 =	sadd.s32 $0x3A00, s1  }
0x15f: {  	[tilespmem:s29], [sflag:$0x3] =	stream.linear.gather [hbm4b:s14+s4], $0x80, $0x38;
	[tilespmem:$0x1A200] =	vst v63  }
0x160: {  	s30 =	sadd.s32 $0x3E00, s1  }
0x161: {  	[tilespmem:s30], [sflag:$0x3] =	stream.linear.gather [hbm4b:s15+s4], $0x80, $0x38;
	[tilespmem:$0x1A200] =	vst v63  }
0x162: {  	s31 =	sadd.s32 $0x4200, s1  }
0x163: {  	[tilespmem:s31], [sflag:$0x3] =	stream.linear.gather [hbm4b:s16+s4], $0x80, $0x38;
	[tilespmem:$0x1A200] =	vst v63  }
0x164: {  	s5 =	sadd.s32 $0x4600, s1  }
0x165: {  	[tilespmem:s5], [sflag:$0x3] =	stream.linear.gather [hbm4b:s17+s4], $0x80, $0x38;
	[tilespmem:$0x1A200] =	vst v63  }
0x166: {  	s8 =	sadd.s32 $0x4A00, s1  }
0x167: {  	[tilespmem:s8], [sflag:$0x3] =	stream.linear.gather [hbm4b:s18+s4], $0x80, $0x38;
	[tilespmem:$0x1A200] =	vst v63  }
0x168: {  	s22 =	sadd.s32 $0x4E00, s1  }
0x169: {  	[tilespmem:s22], [sflag:$0x3] =	stream.linear.gather [hbm4b:s19+s4], $0x80, $0x38;
	[tilespmem:$0x1A200] =	vst v63  }
0x16a: {  	s28 =	sadd.s32 $0x5200, s1  }
0x16b: {  	[tilespmem:s28], [sflag:$0x3] =	stream.linear.gather [hbm4b:s20+s4], $0x80, $0x38;
	[tilespmem:$0x1A200] =	vst v63  }
0x16c: {  	s29 =	sadd.s32 $0x5600, s1  }
0x16d: {  	[tilespmem:s29], [sflag:$0x3] =	stream.linear.gather [hbm4b:s21+s4], $0x80, $0x38;
	[tilespmem:$0x1A200] =	vst v63  }
0x16e: {  	p2 =	sne.s32 s0, $0x1;
	s30 =	sadd.s32 $0x5A00, s1  }
0x16f: {  	[tilespmem:s30], [sflag:$0x3] =	stream.linear.gather [hbm4b:s23+s4], $0x80, $0x38;
	[tilespmem:$0x1A200] =	vst v63  }
.Ltmp8:
0x170: {  	s0 =	sadd.s32 $0xFFFFFFFF, s0;
	(pc) =	sbr.rel @!p2 .LBB2_8-.Ltmp8, $4  }
0x171: {  	p1 =	por $0x1, $0x1;
	s1 =	sadd.s32 $0x5E00, s1;
	s31 =	rddreg [dreg:$0x15]  }
0x172: {  	[tilespmem:s1], [sflag:$0x3] =	stream.linear.gather [hbm4b:s24+s4], $0x80, $0x38;
	[tilespmem:$0x1A200] =	vst v63  }
0x173: {  	s3 =	sadd.s32 $0x800, s26;
	s22 =	sadd.s32 $0x80, s31;
	_ =	swait.ge [sflag:s2], $0x800  }
0x174: {  	s5 =	sand.u32 $0x380, s22;
	s1 =	sand.u32 $0xFFFFC000, s3;
	[sflag:s2] =	ssyncset.done $0x0  }
.LBB2_9:
0x175: {  	p2 =	sne.s32 s0, $0x1;
	s5 =	sor.u32 s5, s1;
	[sflag:s2] =	ssyncadd.s32 $0xFFFFF800  }
0x176: {  	s1 =	sadd.s32 $0x2200, s5;
	s8 =	sadd.s32 $0x2A00, s5;
	s28 =	sadd.s32 $0x3A00, s5  }
0x177: {  	[tilespmem:s1], [sflag:$0x3] =	stream.linear.gather [hbm4b:s6+s4], $0x80, $0x38;
	[tilespmem:$0x1A200] =	vst v63  }
0x178: {  	s0 =	sadd.s32 $0xFFFFFFFF, s0;
	s1 =	sadd.s32 $0x2600, s5  }
0x179: {  	[tilespmem:s1], [sflag:$0x3] =	stream.linear.gather [hbm4b:s9+s4], $0x80, $0x38;
	[tilespmem:$0x1A200] =	vst v63  }
0x17a: {  	_ = 	snop  }
0x17b: {  	[tilespmem:s8], [sflag:$0x3] =	stream.linear.gather [hbm4b:s10+s4], $0x80, $0x38;
	[tilespmem:$0x1A200] =	vst v63  }
0x17c: {  	s1 =	sadd.s32 $0x2E00, s5  }
0x17d: {  	[tilespmem:s1], [sflag:$0x3] =	stream.linear.gather [hbm4b:s11+s4], $0x80, $0x38;
	[tilespmem:$0x1A200] =	vst v63  }
0x17e: {  	s1 =	sadd.s32 $0x3200, s5  }
0x17f: {  	[tilespmem:s1], [sflag:$0x3] =	stream.linear.gather [hbm4b:s12+s4], $0x80, $0x38;
	[tilespmem:$0x1A200] =	vst v63  }
0x180: {  	s1 =	sadd.s32 $0x3600, s5  }
0x181: {  	[tilespmem:s1], [sflag:$0x3] =	stream.linear.gather [hbm4b:s13+s4], $0x80, $0x38;
	[tilespmem:$0x1A200] =	vst v63  }
0x182: {  	_ = 	snop  }
0x183: {  	[tilespmem:s28], [sflag:$0x3] =	stream.linear.gather [hbm4b:s14+s4], $0x80, $0x38;
	[tilespmem:$0x1A200] =	vst v63  }
0x184: {  	s1 =	sadd.s32 $0x3E00, s5  }
0x185: {  	[tilespmem:s1], [sflag:$0x3] =	stream.linear.gather [hbm4b:s15+s4], $0x80, $0x38;
	[tilespmem:$0x1A200] =	vst v63  }
0x186: {  	s1 =	sadd.s32 $0x4200, s5  }
0x187: {  	[tilespmem:s1], [sflag:$0x3] =	stream.linear.gather [hbm4b:s16+s4], $0x80, $0x38;
	[tilespmem:$0x1A200] =	vst v63  }
0x188: {  	s1 =	sadd.s32 $0x4600, s5  }
0x189: {  	[tilespmem:s1], [sflag:$0x3] =	stream.linear.gather [hbm4b:s17+s4], $0x80, $0x38;
	[tilespmem:$0x1A200] =	vst v63  }
0x18a: {  	s1 =	sadd.s32 $0x4A00, s5  }
0x18b: {  	[tilespmem:s1], [sflag:$0x3] =	stream.linear.gather [hbm4b:s18+s4], $0x80, $0x38;
	[tilespmem:$0x1A200] =	vst v63  }
0x18c: {  	s1 =	sadd.s32 $0x4E00, s5  }
0x18d: {  	[tilespmem:s1], [sflag:$0x3] =	stream.linear.gather [hbm4b:s19+s4], $0x80, $0x38;
	[tilespmem:$0x1A200] =	vst v63  }
0x18e: {  	s1 =	sadd.s32 $0x5200, s5  }
0x18f: {  	[tilespmem:s1], [sflag:$0x3] =	stream.linear.gather [hbm4b:s20+s4], $0x80, $0x38;
	[tilespmem:$0x1A200] =	vst v63  }
0x190: {  	s1 =	sadd.s32 $0x5600, s5  }
0x191: {  	[tilespmem:s1], [sflag:$0x3] =	stream.linear.gather [hbm4b:s21+s4], $0x80, $0x38;
	[tilespmem:$0x1A200] =	vst v63  }
0x192: {  	s1 =	sadd.s32 $0x5A00, s5  }
0x193: {  	[tilespmem:s1], [sflag:$0x3] =	stream.linear.gather [hbm4b:s23+s4], $0x80, $0x38;
	[tilespmem:$0x1A200] =	vst v63  }
.Ltmp9:
0x194: {  	_ = 	snop;
	(pc) =	sbr.rel @p2 .LBB2_9-.Ltmp9, $4  }
0x195: {  	s1 =	sadd.s32 $0x5E00, s5  }
0x196: {  	[tilespmem:s1], [sflag:$0x3] =	stream.linear.gather [hbm4b:s24+s4], $0x80, $0x38;
	[tilespmem:$0x1A200] =	vst v63  }
0x197: {  	s22 =	sadd.s32 $0x80, s22;
	s3 =	sadd.s32 $0x800, s3;
	_ =	swait.ge [sflag:s2], $0x800  }
0x198: {  	s5 =	sand.u32 $0x380, s22;
	s1 =	sand.u32 $0xFFFFC000, s3;
	[sflag:s2] =	ssyncset.done $0x0  }
0x199: {  	s28 =	rddreg [dreg:$0x2]  }
0x19a: {  	s3 =	rddreg [dreg:$0x1a]  }
0x19b: {  	s22 =	rddreg [dreg:$0x1c]  }
.LBB2_11:
0x19c: {  	s0 =	sor.u32 s5, s1  }
0x19d: {  	[sflag:s2] =	ssyncadd.s32 @p1 $0xFFFFF800;
	s1 =	sadd.s32 $0x2200, s0  }
0x19e: {  	[tilespmem:s1], [sflag:$0x3] =	stream.linear.gather [hbm4b:s6+s4], $0x80, $0x38;
	[tilespmem:$0x1A200] =	vst v63  }
0x19f: {  	s8 =	sadd.s32 $0x2600, s0  }
0x1a0: {  	[tilespmem:s8], [sflag:$0x3] =	stream.linear.gather [hbm4b:s9+s4], $0x80, $0x38;
	[tilespmem:$0x1A200] =	vst v63  }
0x1a1: {  	s29 =	sadd.s32 $0x2A00, s0  }
0x1a2: {  	[tilespmem:s29], [sflag:$0x3] =	stream.linear.gather [hbm4b:s10+s4], $0x80, $0x38;
	[tilespmem:$0x1A200] =	vst v63  }
0x1a3: {  	s30 =	sadd.s32 $0x2E00, s0  }
0x1a4: {  	[tilespmem:s30], [sflag:$0x3] =	stream.linear.gather [hbm4b:s11+s4], $0x80, $0x38;
	[tilespmem:$0x1A200] =	vst v63  }
0x1a5: {  	s31 =	sadd.s32 $0x3200, s0  }
0x1a6: {  	[tilespmem:s31], [sflag:$0x3] =	stream.linear.gather [hbm4b:s12+s4], $0x80, $0x38;
	[tilespmem:$0x1A200] =	vst v63  }
0x1a7: {  	s5 =	sadd.s32 $0x3600, s0  }
0x1a8: {  	[tilespmem:s5], [sflag:$0x3] =	stream.linear.gather [hbm4b:s13+s4], $0x80, $0x38;
	[tilespmem:$0x1A200] =	vst v63  }
0x1a9: {  	s8 =	sadd.s32 $0x3A00, s0  }
0x1aa: {  	[tilespmem:s8], [sflag:$0x3] =	stream.linear.gather [hbm4b:s14+s4], $0x80, $0x38;
	[tilespmem:$0x1A200] =	vst v63  }
0x1ab: {  	s29 =	sadd.s32 $0x3E00, s0  }
0x1ac: {  	[tilespmem:s29], [sflag:$0x3] =	stream.linear.gather [hbm4b:s15+s4], $0x80, $0x38;
	[tilespmem:$0x1A200] =	vst v63  }
0x1ad: {  	s30 =	sadd.s32 $0x4200, s0  }
0x1ae: {  	[tilespmem:s30], [sflag:$0x3] =	stream.linear.gather [hbm4b:s16+s4], $0x80, $0x38;
	[tilespmem:$0x1A200] =	vst v63  }
0x1af: {  	s31 =	sadd.s32 $0x4600, s0  }
0x1b0: {  	[tilespmem:s31], [sflag:$0x3] =	stream.linear.gather [hbm4b:s17+s4], $0x80, $0x38;
	[tilespmem:$0x1A200] =	vst v63  }
0x1b1: {  	s5 =	sadd.s32 $0x4A00, s0  }
0x1b2: {  	[tilespmem:s5], [sflag:$0x3] =	stream.linear.gather [hbm4b:s18+s4], $0x80, $0x38;
	[tilespmem:$0x1A200] =	vst v63  }
0x1b3: {  	s8 =	sadd.s32 $0x4E00, s0  }
0x1b4: {  	[tilespmem:s8], [sflag:$0x3] =	stream.linear.gather [hbm4b:s19+s4], $0x80, $0x38;
	[tilespmem:$0x1A200] =	vst v63  }
0x1b5: {  	s29 =	sadd.s32 $0x5200, s0  }
0x1b6: {  	[tilespmem:s29], [sflag:$0x3] =	stream.linear.gather [hbm4b:s20+s4], $0x80, $0x38;
	[tilespmem:$0x1A200] =	vst v63  }
0x1b7: {  	s30 =	sadd.s32 $0x5600, s0  }
0x1b8: {  	[tilespmem:s30], [sflag:$0x3] =	stream.linear.gather [hbm4b:s21+s4], $0x80, $0x38;
	[tilespmem:$0x1A200] =	vst v63  }
0x1b9: {  	s31 =	sadd.s32 $0x5A00, s0  }
0x1ba: {  	[tilespmem:s31], [sflag:$0x3] =	stream.linear.gather [hbm4b:s23+s4], $0x80, $0x38;
	[tilespmem:$0x1A200] =	vst v63  }
0x1bb: {  	s0 =	sadd.s32 $0x5E00, s0  }
0x1bc: {  	[tilespmem:s0], [sflag:$0x3] =	stream.linear.gather [hbm4b:s24+s4], $0x80, $0x38;
	[tilespmem:$0x1A200] =	vst v63  }
0x1bd: {  	_ =	swait.ge [sflag:s2], $0x800  }
0x1be: {  	[sflag:s2] =	ssyncset.done $0x0  }
0x1bf: {  	[sflag:s2] =	ssyncadd.s32 $0xFFFFF800  }
.LBB2_12:
0x1c0: {  	s1 =	rddreg [dreg:$0x5]  }
0x1c1: {  	s0 =	sshll.u32 s3, $0x10;
	s5 =	rddreg [dreg:$0x10]  }
0x1c2: {  	s31 =	rddreg [dreg:$0x17];
	s0 =	sadd.s32 s1, s0  }
0x1c3: {  	s29 =	rddreg [dreg:$0x18];
	s0 =	sshrl.u32 s0, $0x3  }
0x1c4: {  	s8 =	simm.s32 $0x2200;
	s30 =	rddreg [dreg:$0x19];
	s0 =	sadd.s32 s28, s0  }
0x1c5: {  	[hbm4b:s0+s4] =	stream.linear.scatter [tilespmem:s8], [sflag:$0x2], $0x8000, $0x38;
	[tilespmem:$0x1A200] =	vst v63  }
0x1c6: {  	s8 =	rddreg [dreg:$0x1b]  }
.LBB2_13:
0x1c7: {  	p1 =	sge.s32 s8, s5  }
.Ltmp10:
0x1c8: {  	_ = 	snop;
	(pc) =	sbr.rel @p1 .LBB2_22-.Ltmp10, $1  }
0x1c9: {  	_ =	sdelay $0x3  }
0x1ca: {  	[dreg:$0x16] =	wrdreg s26;
	s0 =	sadd.s32 $0x2, s22;
	s1 =	simm.s32 $0x1  }
0x1cb: {  	_ =	swait.ge [sflag:s1], $0x8000;
	p1 =	sge.s32 s0, s5  }
0x1cc: {  	[sflag:s1] =	ssyncset.done $0x0;
	s0 =	sshll.u32 @!p1 s0, $0x4  }
0x1cd: {  	[sflag:s1] =	ssyncadd.s32 $0xFFFF8000;
	s0 =	sand.u32 @!p1 $0x3FFFFFF0, s0  }
0x1ce: {  	v2 =	vld @!p1 [tilespmem:s0+$0x2000];
	_ =	sdelay $0x4  }
0x1cf: {  	v3 =	vshll.u32 @!p1 v2, $0x4  }
0x1d0: {  	v4 =	vlaneseq.u32 @!p1;
	v2 =	vand.u32 @!p1 $0x7, v2;
	v3 =	vand.u32 @!p1 $0xFFFFFF80, v3  }
0x1d1: {  	v5 =	vshrl.u32 @!p1 v4, $0x3;
	v2 =	vor.u32 @!p1 v2, v3;
	v3 =	vand.u32 @!p1 $0x7, v4  }
0x1d2: {  	v5 =	vmul.u32 @!p1 $0x8, v5;
	v3 =	vperm.xlane @!p1 v2, v3;
	_ =	sdelay $0x1  }
0x1d3: {  	v3 =	vadd.s32 @!p1 v5, v3;
	_ =	sdelay $0x3  }
0x1d4: {  	vm0 =	vmmov @!p1 $0xffff;
	s1 =	simm.s32 @!p1 $0x2200;
	s0 =	simm.s32 @!p1 $0x0;
	s30 =	rddreg [dreg:$0x0]  }
0x1d5: {  	[tilespmem:s1], [sflag:$0x1] =	stream.indirect_vreg.gather @!p1 [hbm4b:s30+s0], $0x80, v3, vm0, $0xb8;
	[tilespmem:$0x1A200] =	vst v63  }
0x1d6: {  	s3 =	rddreg [dreg:$0x8];
	s1 =	simm.s32 @!p1 $0x2A00  }
0x1d7: {  	[tilespmem:s1], [sflag:$0x1] =	stream.indirect_vreg.gather @!p1 [hbm4b:s3+s0], $0x80, v3, vm0, $0xb8;
	[tilespmem:$0x1A200] =	vst v63  }
0x1d8: {  	s5 =	rddreg [dreg:$0x9];
	s1 =	simm.s32 @!p1 $0x3200  }
0x1d9: {  	[tilespmem:s1], [sflag:$0x1] =	stream.indirect_vreg.gather @!p1 [hbm4b:s5+s0], $0x80, v3, vm0, $0xb8;
	[tilespmem:$0x1A200] =	vst v63  }
0x1da: {  	s22 =	rddreg [dreg:$0xa];
	s1 =	simm.s32 @!p1 $0x3A00  }
0x1db: {  	[tilespmem:s1], [sflag:$0x1] =	stream.indirect_vreg.gather @!p1 [hbm4b:s22+s0], $0x80, v3, vm0, $0xb8;
	[tilespmem:$0x1A200] =	vst v63  }
0x1dc: {  	s8 =	rddreg [dreg:$0xb];
	s1 =	simm.s32 @!p1 $0x4200  }
0x1dd: {  	v4 =	vor.u32 @!p1 $0x8, v4;
	[tilespmem:s1], [sflag:$0x1] =	stream.indirect_vreg.gather @!p1 [hbm4b:s8+s0], $0x80, v3, vm0, $0xb8;
	[tilespmem:$0x1A200] =	vst v63  }
0x1de: {  	s25 =	rddreg [dreg:$0xc];
	v2 =	vperm.xlane @!p1 v2, v4;
	s1 =	simm.s32 @!p1 $0x4A00  }
0x1df: {  	[tilespmem:s1], [sflag:$0x1] =	stream.indirect_vreg.gather @!p1 [hbm4b:s25+s0], $0x80, v3, vm0, $0xb8;
	[tilespmem:$0x1A200] =	vst v63  }
0x1e0: {  	s29 =	rddreg [dreg:$0xd];
	v2 =	vadd.s32 @!p1 v5, v2;
	s1 =	simm.s32 @!p1 $0x5200  }
0x1e1: {  	[tilespmem:s1], [sflag:$0x1] =	stream.indirect_vreg.gather @!p1 [hbm4b:s29+s0], $0x80, v3, vm0, $0xb8;
	[tilespmem:$0x1A200] =	vst v63  }
0x1e2: {  	s26 =	rddreg [dreg:$0xe];
	s1 =	simm.s32 @!p1 $0x5A00  }
0x1e3: {  	[tilespmem:s1], [sflag:$0x1] =	stream.indirect_vreg.gather @!p1 [hbm4b:s26+s0], $0x80, v3, vm0, $0xb8;
	[tilespmem:$0x1A200] =	vst v63  }
0x1e4: {  	s1 =	simm.s32 @!p1 $0x6200  }
0x1e5: {  	[tilespmem:s1], [sflag:$0x1] =	stream.indirect_vreg.gather @!p1 [hbm4b:s30+s0], $0x80, v2, vm0, $0xb8;
	[tilespmem:$0x1A200] =	vst v63  }
0x1e6: {  	s1 =	simm.s32 @!p1 $0x6A00  }
0x1e7: {  	[tilespmem:s1], [sflag:$0x1] =	stream.indirect_vreg.gather @!p1 [hbm4b:s3+s0], $0x80, v2, vm0, $0xb8;
	[tilespmem:$0x1A200] =	vst v63  }
0x1e8: {  	s1 =	simm.s32 @!p1 $0x7200  }
0x1e9: {  	[tilespmem:s1], [sflag:$0x1] =	stream.indirect_vreg.gather @!p1 [hbm4b:s5+s0], $0x80, v2, vm0, $0xb8;
	[tilespmem:$0x1A200] =	vst v63  }
0x1ea: {  	s1 =	simm.s32 @!p1 $0x7A00  }
0x1eb: {  	[tilespmem:s1], [sflag:$0x1] =	stream.indirect_vreg.gather @!p1 [hbm4b:s22+s0], $0x80, v2, vm0, $0xb8;
	[tilespmem:$0x1A200] =	vst v63  }
0x1ec: {  	s1 =	simm.s32 @!p1 $0x8200  }
0x1ed: {  	[tilespmem:s1], [sflag:$0x1] =	stream.indirect_vreg.gather @!p1 [hbm4b:s8+s0], $0x80, v2, vm0, $0xb8;
	[tilespmem:$0x1A200] =	vst v63  }
0x1ee: {  	s1 =	simm.s32 @!p1 $0x8A00  }
0x1ef: {  	[tilespmem:s1], [sflag:$0x1] =	stream.indirect_vreg.gather @!p1 [hbm4b:s25+s0], $0x80, v2, vm0, $0xb8;
	[tilespmem:$0x1A200] =	vst v63  }
0x1f0: {  	s1 =	simm.s32 @!p1 $0x9200  }
0x1f1: {  	[tilespmem:s1], [sflag:$0x1] =	stream.indirect_vreg.gather @!p1 [hbm4b:s29+s0], $0x80, v2, vm0, $0xb8;
	[tilespmem:$0x1A200] =	vst v63  }
0x1f2: {  	s25 =	rddreg [dreg:$0x13];
	s1 =	simm.s32 @!p1 $0x9A00  }
0x1f3: {  	[tilespmem:s1], [sflag:$0x1] =	stream.indirect_vreg.gather @!p1 [hbm4b:s26+s0], $0x80, v2, vm0, $0xb8;
	[tilespmem:$0x1A200] =	vst v63  }
0x1f4: {  	s26 =	rddreg [dreg:$0x1c]  }
0x1f5: {  	s3 =	rddreg [dreg:$0x1b];
	p1 =	sne.s32 s26, s25  }
0x1f6: {  	s1 =	rddreg [dreg:$0x11];
	s0 =	sshll.u32 @!p1 s3, $0x4  }
0x1f7: {  	s0 =	ssub.s32 @!p1 s1, s0  }
0x1f8: {  	p2 =	sgt.s32 @!p1 s0, $0xF  }
0x1f9: {  	p1 =	por p1, p2  }
.Ltmp11:
0x1fa: {  	_ = 	snop;
	(pc) =	sbr.rel @p1 .LBB2_21-.Ltmp11, $4  }
0x1fb: {  	s30 =	rddreg [dreg:$0x19]  }
0x1fc: {  	s29 =	rddreg [dreg:$0x18];
	_ =	swait.ge [sflag:s7], $0x8000  }
0x1fd: {  	[sflag:s7] =	ssyncset.done $0x0  }
0x1fe: {  	[sflag:s7] =	ssyncadd.s32 $0xFFFF8000  }
0x1ff: {  	p2 =	sne.s32 s31, $0x1  }
.Ltmp12:
0x200: {  	_ = 	snop;
	(pc) =	sbr.rel @!p2 .LBB2_20-.Ltmp12, $3  }
0x201: {  	_ =	sdelay $0x1  }
0x202: {  	s0 =	sadd.s32 $0xFFFFFFFF, s31  }
0x203: {  	s5 =	sand.u32 $0x380, s29;
	s22 =	sand.u32 $0xFFFFC000, s30;
	p1 =	por $0x0, $0x0  }
0x204: {  	s1 =	sor.u32 s5, s22  }
0x205: {  	s3 =	sadd.s32 $0xA200, s1  }
0x206: {  	[tilespmem:s3], [sflag:$0x3] =	stream.linear.gather [hbm4b:s6+s4], $0x80, $0x38;
	[tilespmem:$0x1A200] =	vst v63  }
0x207: {  	s26 =	sadd.s32 $0xA600, s1  }
0x208: {  	[tilespmem:s26], [sflag:$0x3] =	stream.linear.gather [hbm4b:s9+s4], $0x80, $0x38;
	[tilespmem:$0x1A200] =	vst v63  }
0x209: {  	s28 =	sadd.s32 $0xAA00, s1  }
0x20a: {  	[tilespmem:s28], [sflag:$0x3] =	stream.linear.gather [hbm4b:s10+s4], $0x80, $0x38;
	[tilespmem:$0x1A200] =	vst v63  }
0x20b: {  	s5 =	sadd.s32 $0xAE00, s1  }
0x20c: {  	[tilespmem:s5], [sflag:$0x3] =	stream.linear.gather [hbm4b:s11+s4], $0x80, $0x38;
	[tilespmem:$0x1A200] =	vst v63  }
0x20d: {  	s8 =	sadd.s32 $0xB200, s1  }
0x20e: {  	[tilespmem:s8], [sflag:$0x3] =	stream.linear.gather [hbm4b:s12+s4], $0x80, $0x38;
	[tilespmem:$0x1A200] =	vst v63  }
0x20f: {  	s22 =	sadd.s32 $0xB600, s1  }
0x210: {  	[tilespmem:s22], [sflag:$0x3] =	stream.linear.gather [hbm4b:s13+s4], $0x80, $0x38;
	[tilespmem:$0x1A200] =	vst v63  }
0x211: {  	s25 =	sadd.s32 $0xBA00, s1  }
0x212: {  	[tilespmem:s25], [sflag:$0x3] =	stream.linear.gather [hbm4b:s14+s4], $0x80, $0x38;
	[tilespmem:$0x1A200] =	vst v63  }
0x213: {  	s26 =	sadd.s32 $0xBE00, s1  }
0x214: {  	[tilespmem:s26], [sflag:$0x3] =	stream.linear.gather [hbm4b:s15+s4], $0x80, $0x38;
	[tilespmem:$0x1A200] =	vst v63  }
0x215: {  	s28 =	sadd.s32 $0xC200, s1  }
0x216: {  	[tilespmem:s28], [sflag:$0x3] =	stream.linear.gather [hbm4b:s16+s4], $0x80, $0x38;
	[tilespmem:$0x1A200] =	vst v63  }
0x217: {  	s5 =	sadd.s32 $0xC600, s1  }
0x218: {  	[tilespmem:s5], [sflag:$0x3] =	stream.linear.gather [hbm4b:s17+s4], $0x80, $0x38;
	[tilespmem:$0x1A200] =	vst v63  }
0x219: {  	s8 =	sadd.s32 $0xCA00, s1  }
0x21a: {  	[tilespmem:s8], [sflag:$0x3] =	stream.linear.gather [hbm4b:s18+s4], $0x80, $0x38;
	[tilespmem:$0x1A200] =	vst v63  }
0x21b: {  	s22 =	sadd.s32 $0xCE00, s1  }
0x21c: {  	[tilespmem:s22], [sflag:$0x3] =	stream.linear.gather [hbm4b:s19+s4], $0x80, $0x38;
	[tilespmem:$0x1A200] =	vst v63  }
0x21d: {  	s25 =	sadd.s32 $0xD200, s1  }
0x21e: {  	[tilespmem:s25], [sflag:$0x3] =	stream.linear.gather [hbm4b:s20+s4], $0x80, $0x38;
	[tilespmem:$0x1A200] =	vst v63  }
0x21f: {  	s26 =	sadd.s32 $0xD600, s1  }
0x220: {  	[tilespmem:s26], [sflag:$0x3] =	stream.linear.gather [hbm4b:s21+s4], $0x80, $0x38;
	[tilespmem:$0x1A200] =	vst v63  }
0x221: {  	p2 =	sne.s32 s0, $0x1;
	s28 =	sadd.s32 $0xDA00, s1  }
0x222: {  	[tilespmem:s28], [sflag:$0x3] =	stream.linear.gather [hbm4b:s23+s4], $0x80, $0x38;
	[tilespmem:$0x1A200] =	vst v63  }
.Ltmp13:
0x223: {  	_ = 	snop;
	(pc) =	sbr.rel @!p2 .LBB2_17-.Ltmp13, $4  }
0x224: {  	s0 =	sadd.s32 $0xFFFFFFFF, s0;
	p1 =	por $0x1, $0x1;
	s1 =	sadd.s32 $0xDE00, s1  }
0x225: {  	[tilespmem:s1], [sflag:$0x3] =	stream.linear.gather [hbm4b:s24+s4], $0x80, $0x38;
	[tilespmem:$0x1A200] =	vst v63  }
0x226: {  	s3 =	sadd.s32 $0x800, s30;
	s1 =	sadd.s32 $0x80, s29;
	_ =	swait.ge [sflag:s2], $0x800  }
0x227: {  	s22 =	sand.u32 $0xFFFFC000, s3;
	s5 =	sand.u32 $0x380, s1;
	[sflag:s2] =	ssyncset.done $0x0  }
.LBB2_18:
0x228: {  	p2 =	sne.s32 s0, $0x1;
	s5 =	sor.u32 s5, s22;
	[sflag:s2] =	ssyncadd.s32 $0xFFFFF800  }
0x229: {  	s8 =	sadd.s32 $0xA200, s5;
	s22 =	sadd.s32 $0xAA00, s5;
	s28 =	sadd.s32 $0xBA00, s5  }
0x22a: {  	[tilespmem:s8], [sflag:$0x3] =	stream.linear.gather [hbm4b:s6+s4], $0x80, $0x38;
	[tilespmem:$0x1A200] =	vst v63  }
0x22b: {  	s0 =	sadd.s32 $0xFFFFFFFF, s0;
	s8 =	sadd.s32 $0xA600, s5  }
0x22c: {  	[tilespmem:s8], [sflag:$0x3] =	stream.linear.gather [hbm4b:s9+s4], $0x80, $0x38;
	[tilespmem:$0x1A200] =	vst v63  }
0x22d: {  	_ = 	snop  }
0x22e: {  	[tilespmem:s22], [sflag:$0x3] =	stream.linear.gather [hbm4b:s10+s4], $0x80, $0x38;
	[tilespmem:$0x1A200] =	vst v63  }
0x22f: {  	s8 =	sadd.s32 $0xAE00, s5  }
0x230: {  	[tilespmem:s8], [sflag:$0x3] =	stream.linear.gather [hbm4b:s11+s4], $0x80, $0x38;
	[tilespmem:$0x1A200] =	vst v63  }
0x231: {  	s8 =	sadd.s32 $0xB200, s5  }
0x232: {  	[tilespmem:s8], [sflag:$0x3] =	stream.linear.gather [hbm4b:s12+s4], $0x80, $0x38;
	[tilespmem:$0x1A200] =	vst v63  }
0x233: {  	s8 =	sadd.s32 $0xB600, s5  }
0x234: {  	[tilespmem:s8], [sflag:$0x3] =	stream.linear.gather [hbm4b:s13+s4], $0x80, $0x38;
	[tilespmem:$0x1A200] =	vst v63  }
0x235: {  	_ = 	snop  }
0x236: {  	[tilespmem:s28], [sflag:$0x3] =	stream.linear.gather [hbm4b:s14+s4], $0x80, $0x38;
	[tilespmem:$0x1A200] =	vst v63  }
0x237: {  	s8 =	sadd.s32 $0xBE00, s5  }
0x238: {  	[tilespmem:s8], [sflag:$0x3] =	stream.linear.gather [hbm4b:s15+s4], $0x80, $0x38;
	[tilespmem:$0x1A200] =	vst v63  }
0x239: {  	s8 =	sadd.s32 $0xC200, s5  }
0x23a: {  	[tilespmem:s8], [sflag:$0x3] =	stream.linear.gather [hbm4b:s16+s4], $0x80, $0x38;
	[tilespmem:$0x1A200] =	vst v63  }
0x23b: {  	s8 =	sadd.s32 $0xC600, s5  }
0x23c: {  	[tilespmem:s8], [sflag:$0x3] =	stream.linear.gather [hbm4b:s17+s4], $0x80, $0x38;
	[tilespmem:$0x1A200] =	vst v63  }
0x23d: {  	s8 =	sadd.s32 $0xCA00, s5  }
0x23e: {  	[tilespmem:s8], [sflag:$0x3] =	stream.linear.gather [hbm4b:s18+s4], $0x80, $0x38;
	[tilespmem:$0x1A200] =	vst v63  }
0x23f: {  	s8 =	sadd.s32 $0xCE00, s5  }
0x240: {  	[tilespmem:s8], [sflag:$0x3] =	stream.linear.gather [hbm4b:s19+s4], $0x80, $0x38;
	[tilespmem:$0x1A200] =	vst v63  }
0x241: {  	s8 =	sadd.s32 $0xD200, s5  }
0x242: {  	[tilespmem:s8], [sflag:$0x3] =	stream.linear.gather [hbm4b:s20+s4], $0x80, $0x38;
	[tilespmem:$0x1A200] =	vst v63  }
0x243: {  	s8 =	sadd.s32 $0xD600, s5  }
0x244: {  	[tilespmem:s8], [sflag:$0x3] =	stream.linear.gather [hbm4b:s21+s4], $0x80, $0x38;
	[tilespmem:$0x1A200] =	vst v63  }
0x245: {  	s8 =	sadd.s32 $0xDA00, s5  }
0x246: {  	[tilespmem:s8], [sflag:$0x3] =	stream.linear.gather [hbm4b:s23+s4], $0x80, $0x38;
	[tilespmem:$0x1A200] =	vst v63  }
.Ltmp14:
0x247: {  	_ = 	snop;
	(pc) =	sbr.rel @p2 .LBB2_18-.Ltmp14, $4  }
0x248: {  	s5 =	sadd.s32 $0xDE00, s5  }
0x249: {  	[tilespmem:s5], [sflag:$0x3] =	stream.linear.gather [hbm4b:s24+s4], $0x80, $0x38;
	[tilespmem:$0x1A200] =	vst v63  }
0x24a: {  	s1 =	sadd.s32 $0x80, s1;
	s3 =	sadd.s32 $0x800, s3;
	_ =	swait.ge [sflag:s2], $0x800  }
0x24b: {  	s22 =	sand.u32 $0xFFFFC000, s3;
	s5 =	sand.u32 $0x380, s1;
	[sflag:s2] =	ssyncset.done $0x0  }
.Ltmp15:
0x24c: {  	(pc) =	sbr.rel .LBB2_20-.Ltmp15, $3  }
0x24d: {  	_ =	sdelay $0x1  }
0x24e: {  	s28 =	rddreg [dreg:$0x2]  }
0x24f: {  	s3 =	rddreg [dreg:$0x1b]  }
.LBB2_8:
.Ltmp16:
0x250: {  	(pc) =	sbr.rel .LBB2_11-.Ltmp16, $4  }
0x251: {  	_ = 	snop  }
0x252: {  	s28 =	rddreg [dreg:$0x2]  }
0x253: {  	s3 =	rddreg [dreg:$0x1a]  }
0x254: {  	s22 =	rddreg [dreg:$0x1c]  }
.LBB2_23:
0x255: {  	p1 =	sgt.u32 @!p0 s5, $0x13  }
0x256: {  	p1 =	por p0, !p1  }
.Ltmp17:
0x257: {  	_ = 	snop;
	(pc) =	sbr.rel @!p1 .LBB2_29-.Ltmp17, $4  }
0x258: {  	s0 =	simm.s32 @!p0 $0x2  }
0x259: {  	_ =	swait.ge @!p0 [sflag:s0], $0x8000  }
0x25a: {  	s8 =	simm.s32 $0x12200;
	[sflag:s0] =	ssyncset.done @!p0 $0x0  }
0x25b: {  	s22 =	simm.s32 $0x2000;
	s25 =	rddreg [dreg:$0xf];
	[sflag:s0] =	ssyncadd.s32 @!p0 $0xFFFF8000  }
0x25c: {  	s0 =	sshll.u32 s5, $0xF;
	s1 =	rddreg [dreg:$0x7]  }
0x25d: {  	s3 =	sadd.s32 s0, s1;
	s0 =	ssub.s32 $0x14, s5  }
0x25e: {  	p0 =	sne.s32 s0, $0x1  }
.Ltmp18:
0x25f: {  	_ = 	snop;
	(pc) =	sbr.rel @!p0 .LBB2_26-.Ltmp18, $3  }
0x260: {  	_ =	sdelay $0x1  }
0x261: {  	s31 =	sshrl.u32 s3, $0x3  }
0x262: {  	s1 =	sadd.s32 $0xFFFFFFFF, s0;
	s3 =	sadd.s32 $0x8000, s3;
	s5 =	sadd.s32 s28, s31  }
.LBB2_25:
0x263: {  	[hbm4b:s5+s4] =	stream.linear.scatter [tilespmem:s8], [sflag:$0x2], $0x8000, $0x38;
	[tilespmem:$0x1A200] =	vst v63  }
0x264: {  	p1 =	sne.s32 s1, $0x1  }
.Ltmp19:
0x265: {  	s1 =	sadd.s32 $0xFFFFFFFF, s1;
	(pc) =	sbr.rel @p1 .LBB2_25-.Ltmp19, $3  }
0x266: {  	_ =	sdelay $0x1  }
0x267: {  	s5 =	sshrl.u32 s3, $0x3  }
0x268: {  	s3 =	sadd.s32 $0x8000, s3;
	s5 =	sadd.s32 s28, s5  }
.LBB2_26:
.Ltmp20:
0x269: {  	(pc) =	sbr.rel @!p0 .LBB2_28-.Ltmp20, $4  }
0x26a: {  	_ = 	snop  }
0x26b: {  	[hbm4b:s5+s4] =	stream.linear.scatter [tilespmem:s8], [sflag:$0x2], $0x8000, $0x38;
	[tilespmem:$0x1A200] =	vst v63  }
0x26c: {  	_ =	swait.ge [sflag:s7], $0x8000  }
0x26d: {  	s0 =	sadd.s32 $0xFFFFFFFF, s0;
	[sflag:s7] =	ssyncset.done $0x0  }
.LBB2_27:
0x26e: {  	p0 =	sne.s32 s0, $0x1;
	s0 =	sadd.s32 $0xFFFFFFFF, s0;
	[sflag:s7] =	ssyncadd.s32 $0xFFFF8000  }
.Ltmp21:
0x26f: {  	(pc) =	sbr.rel @p0 .LBB2_27-.Ltmp21, $3  }
0x270: {  	_ =	sdelay $0x1  }
0x271: {  	_ =	swait.ge [sflag:s7], $0x8000  }
0x272: {  	[sflag:s7] =	ssyncset.done $0x0  }
.Ltmp22:
0x273: {  	_ = 	snop;
	(pc) =	sbr.rel .LBB2_28-.Ltmp22, $1  }
0x274: {  	_ =	sdelay $0x3  }
.LBB2_30:
0x275: {  	_ =	sfence.sel $0x180000  }
0x276: {  	[bflag:$0x0] =	sbarrier.arrive $0xFFFF  }
0x277: {  	_ =	strace $0x90000047  }
0x278: {  	s0 =	stileid.u32;
	[bflag:$0x2] =	sbarrier.arrive $0xFFFF  }
0x279: {  	p0 =	sne.s32 s0, $0x0;
	s0 =	rddreg [dreg:$0x3]  }
0x27a: {  	s0 =	sadd.s32 @!p0 $0x100000, s0  }
0x27b: {  	[sflag:s0] =	ssyncadd.tile.s32 @!p0 $0x1;
	_ =	shalt  }
.Lfunc_end2:
_tile_overlayer_lowered:
.L_overlay_start_2:
0x27c: {  	(tag) =	ssettag $0x2  }
0x27d: {  	s0 =	rddreg [dreg:$0x0];
	s2 =	stileid.u32  }
0x27e: {  	s1 =	rddreg [dreg:$0x1];
	p0 =	sne.s32 s2, $0x0  }
0x27f: {  	s3 =	rddreg [dreg:$0x2];
	[bflag:$0x3] =	sbarrier.arrive $0xFFFF;
	s2 =	simm.s32 @!p0 $0x1C03  }
0x280: {  	[timem:s3], [sflag:s2] =	dma.local @!p0 [hbm:s0], s1  }
0x281: {  	s0 =	simm.s32 @!p0 $0x3  }
0x282: {  	_ =	swait.ge @!p0 [sflag:s0], s1  }
0x283: {  	s1 =	ssub.s32 @!p0 $0x0, s1;
	[sflag:s0] =	ssyncset.done @!p0 $0x0  }
0x284: {  	[sflag:s0] =	ssyncadd.s32 @!p0 s1  }
0x285: {  	[bflag:$0x3] =	sbarrier.arrive $0xFFFF  }
0x286: {  	_ =	shalt  }

</sc_bundles>
